<compile_context>
chip_gen: v7x
topology: tpu7x:2x2x1
jax: 0.10.2.dev20260603
libtpu: 0.0.44.dev20260713+nightly
codegen_flags: <defaults>
</compile_context>

<pallas_src>
import jax
import jax.numpy as jnp
from jax import lax
from jax.experimental import pallas as pl
from jax.experimental.pallas import tpu as pltpu
from jax.experimental.pallas import tpu_sc as plsc

_N = 1000
_B = 16384

_NC = 2
_NS = 16
_NW = _NC * _NS
_CHUNK = _B // _NW
_L = 16
_GCHUNK = 128
_ROWS = 512


def _tab_body(w_ref, wb_ref, out_ref):
    w = w_ref[...]
    lane = lax.broadcasted_iota(jnp.int32, (_ROWS, 1024), 1)
    wm = jnp.where(lane < _N, w, -jnp.inf)
    m = jnp.max(wm, axis=1, keepdims=True)
    lse = jnp.log(jnp.sum(jnp.exp(wm - m), axis=1, keepdims=True)) + m
    wb = wb_ref[...]
    lane1 = lax.broadcasted_iota(jnp.int32, (1024,), 0)
    wbm = jnp.where(lane1 < _N, wb, -jnp.inf)
    mb = jnp.max(wbm)
    lseb = jnp.log(jnp.sum(jnp.exp(wbm - mb))) + mb
    i = pl.program_id(0)
    wb_row = wb_ref[pl.ds(i * _ROWS, _ROWS)].reshape(1, _ROWS)
    wb_col = wb_row.T
    corr = lse - wb_col + lseb
    for k in range(8):
        out_ref[pl.ds(_ROWS * k, _ROWS), :] = w[:, 128 * k:128 * (k + 1)] - corr


def _sc_body(ab_hbm, tab_hbm, out_hbm, ab_v, idx_v, g_v, sem):
    wid = lax.axis_index("s") * _NC + lax.axis_index("c")
    base = wid * _CHUNK
    grp = wid * (_CHUNK // 128)
    pltpu.async_copy(ab_hbm.at[pl.ds(grp, _CHUNK // 128)], ab_v, sem).wait()
    cps = []
    for j in range(_CHUNK // _GCHUNK):
        for t in range(_GCHUNK // _L):
            av = ab_v[j, 0, pl.ds(t * _L, _L)]
            bv = ab_v[j, 1, pl.ds(t * _L, _L)]
            idx_v[pl.ds(j * _GCHUNK + t * _L, _L)] = (
                (bv >> 9) * 524288 + (av >> 7) * 65536
                + (bv & 511) * 128 + (av & 127))
        s = pl.ds(j * _GCHUNK, _GCHUNK)
        cps.append(pltpu.async_copy(tab_hbm.at[idx_v.at[s]], g_v.at[s], sem))
    for c in cps:
        c.wait()
    pltpu.sync_copy(g_v, out_hbm.at[pl.ds(base, _CHUNK)])


def kernel(inputs, w_B, w_AB):
    ab = jnp.transpose(inputs.astype(jnp.int32).reshape(_B // 128, 128, 2),
                       (0, 2, 1))
    table = pl.pallas_call(
        _tab_body,
        grid=(2,),
        in_specs=[
            pl.BlockSpec((_ROWS, 1024), lambda i: (i, 0)),
            pl.BlockSpec((1024,), lambda i: (0,)),
        ],
        out_specs=pl.BlockSpec((8 * _ROWS, 128), lambda i: (i, 0)),
        out_shape=jax.ShapeDtypeStruct((16 * _ROWS, 128), jnp.float32),
    )(w_AB, w_B)
    mesh = plsc.VectorSubcoreMesh(core_axis_name="c", subcore_axis_name="s")
    sc = pl.kernel(
        _sc_body,
        mesh=mesh,
        out_type=jax.ShapeDtypeStruct((_B,), jnp.float32),
        scratch_types=[
            pltpu.VMEM((_CHUNK // 128, 2, 128), jnp.int32),
            pltpu.VMEM((_CHUNK,), jnp.int32),
            pltpu.VMEM((_CHUNK,), jnp.float32),
            pltpu.SemaphoreType.DMA,
        ],
    )
    return sc(ab, table.reshape(-1))

# --- scband reference (transcript-rebuilt; emitter-appended) ---
"""Pipeline reference for scband-model2-12687333392538 (READ-ONLY COPY).

The authoritative reference and input builder live on the scoring server;
editing this copy changes nothing except your own understanding.
"""

import jax, jax.numpy as jnp
import numpy as np

N = 1000
B = 16384

def setup_inputs(seed: int = 0) -> dict:
    key = jax.random.key(seed)
    k1, k2, k3 = jax.random.split(key, 3)
    inputs = jax.random.randint(k1, (B, 2), 0, N, dtype=jnp.int64 if jax.config.jax_enable_x64 else jnp.int32)
    # learned parameters: Marginal.w (log-prob logits over N) and Conditional.w (N x N logits, rows=B-value, cols=A-value)
    w_B = jax.random.normal(k2, (N,), dtype=jnp.float32)
    w_AB = jax.random.normal(k3, (N, N), dtype=jnp.float32)
    return {"inputs": inputs, "w_B": w_B, "w_AB": w_AB}

def reference(inputs, w_B, w_AB):
    # Model2.forward: split inputs into A (col 0) and B (col 1), squeeze
    inputs_A = inputs[:, 0]
    inputs_B = inputs[:, 1]
    # p_B(inputs_B): marginal log-prob lookup -> log_softmax over w_B, gather at B indices
    log_p_B = jax.nn.log_softmax(w_B, axis=0)
    term_B = jnp.take(log_p_B, inputs_B, axis=0)
    # p_A_B(inputs_B, inputs_A): conditional log-prob -> row-wise log_softmax of w_AB,
    # row selected by B value, column by A value
    log_p_A_given_B = jax.nn.log_softmax(w_AB, axis=1)
    rows = jnp.take(log_p_A_given_B, inputs_B, axis=0)  # [B, N] gather
    term_AB = jnp.take_along_axis(rows, inputs_A[:, None], axis=1)[:, 0]
    return term_B + term_AB

if __name__ == "__main__":
    import jax
    _d = setup_inputs()
    print(jax.jit(kernel)(*tuple(_d.values())))

</pallas_src>

<mosaic_0001>
#map = affine_map<(d0, d1) -> (0, 0, 0)>
#map1 = affine_map<(d0, d1) -> (0)>
module attributes {stable_mosaic.version = 14 : i64} {
  func.func @_sc_body(%arg0: i32, %arg1: i32, %arg2: memref<128x2x128xi32, #tpu.memory_space<hbm>>, %arg3: memref<1048576xf32, #tpu.memory_space<hbm>>, %arg4: memref<16384xf32, #tpu.memory_space<hbm>>, %arg5: memref<4x2x128xi32, #tpu.memory_space<vmem>>, %arg6: memref<512xi32, #tpu.memory_space<vmem>>, %arg7: memref<512xf32, #tpu.memory_space<vmem>>, %arg8: memref<!tpu.dma_semaphore, #tpu.memory_space<semaphore_mem>>) attributes {dimension_semantics = [#tpu.dimension_semantics<core_parallel>, #tpu.dimension_semantics<subcore_parallel>], iteration_bounds = array<i64: 2, 16>, scalar_prefetch = 0 : i64, scratch_operands = 4 : i64, tpu.core_type = #tpu.core_type<sc_vector_subcore>, window_params = [{transform_indices = #map}, {transform_indices = #map1}, {transform_indices = #map1}]} {
    %mul3A = arith.constant 2 : i32
    %mul3A_0 = arith.muli %arg1, %mul3A : i32
    %add3A = arith.addi %mul3A_0, %arg0 : i32
    %mul3A_1 = arith.constant 512 : i32
    %mul3A_2 = arith.muli %add3A, %mul3A_1 : i32
    %mul3A_3 = arith.constant 4 : i32
    %mul3A_4 = arith.muli %add3A, %mul3A_3 : i32
    %dma_start3A = arith.constant 0 : i32
    %dma_start3A_5 = arith.constant 0 : i32
    %dma_start3A_6 = tpu.memref_slice %arg2[%mul3A_4, %dma_start3A, %dma_start3A_5] : memref<128x2x128xi32, #tpu.memory_space<hbm>> -> memref<4x2x128xi32, #tpu.memory_space<hbm>>
    %dma_start3A_7 = arith.constant 0 : i32
    %dma_start3A_8 = arith.constant 0 : i32
    %dma_start3A_9 = tpu.memref_slice %arg2[%mul3A_4, %dma_start3A_7, %dma_start3A_8] : memref<128x2x128xi32, #tpu.memory_space<hbm>> -> memref<4x2x128xi32, #tpu.memory_space<hbm>>
    tpu.enqueue_dma source(%dma_start3A_9 : memref<4x2x128xi32, #tpu.memory_space<hbm>>) target(%arg5 : memref<4x2x128xi32, #tpu.memory_space<vmem>>) target_semaphore(%arg8 : memref<!tpu.dma_semaphore, #tpu.memory_space<semaphore_mem>>)
    %dma_wait3A = arith.constant 0 : i32
    %dma_wait3A_10 = arith.constant 0 : i32
    %dma_wait3A_11 = tpu.memref_slice %arg2[%mul3A_4, %dma_wait3A, %dma_wait3A_10] : memref<128x2x128xi32, #tpu.memory_space<hbm>> -> memref<4x2x128xi32, #tpu.memory_space<hbm>>
    %dma_wait3A_12 = arith.constant 0 : i32
    %dma_wait3A_13 = arith.constant 0 : i32
    %dma_wait3A_14 = tpu.memref_slice %arg2[%mul3A_4, %dma_wait3A_12, %dma_wait3A_13] : memref<128x2x128xi32, #tpu.memory_space<hbm>> -> memref<4x2x128xi32, #tpu.memory_space<hbm>>
    tpu.wait_dma2 semaphore(%arg8 : memref<!tpu.dma_semaphore, #tpu.memory_space<semaphore_mem>>) src(%dma_wait3A_14 : memref<4x2x128xi32, #tpu.memory_space<hbm>>) dst(%arg5 : memref<4x2x128xi32, #tpu.memory_space<vmem>>)
    %get3A = arith.constant 0 : i32
    %get3A_15 = arith.constant 0 : i32
    %get3A_16 = arith.index_cast %get3A : i32 to index
    %get3A_17 = arith.index_cast %get3A_15 : i32 to index
    %get3A_18 = arith.constant 0 : index
    %get3A_19 = tpu.vector_load %arg5[%get3A_16, %get3A_17, %get3A_18] {strides = array<i32>} : memref<4x2x128xi32, #tpu.memory_space<vmem>>, vector<1x1x16xi32>,
    %get3A_20 = vector.shape_cast %get3A_19 : vector<1x1x16xi32> to vector<16xi32>
    %get3A_21 = arith.constant 0 : i32
    %get3A_22 = arith.constant 1 : i32
    %get3A_23 = arith.index_cast %get3A_21 : i32 to index
    %get3A_24 = arith.index_cast %get3A_22 : i32 to index
    %get3A_25 = arith.constant 0 : index
    %get3A_26 = tpu.vector_load %arg5[%get3A_23, %get3A_24, %get3A_25] {strides = array<i32>} : memref<4x2x128xi32, #tpu.memory_space<vmem>>, vector<1x1x16xi32>,
    %get3A_27 = vector.shape_cast %get3A_26 : vector<1x1x16xi32> to vector<16xi32>
    %shift_right_arithmetic3A = arith.constant 9 : i32
    %shift_right_arithmetic3A_28 = vector.broadcast %shift_right_arithmetic3A : i32 to vector<16xi32>
    %shift_right_arithmetic3A_29 = arith.shrsi %get3A_27, %shift_right_arithmetic3A_28 : vector<16xi32>
    %mul3A_30 = arith.constant 524288 : i32
    %mul3A_31 = vector.broadcast %mul3A_30 : i32 to vector<16xi32>
    %mul3A_32 = arith.muli %shift_right_arithmetic3A_29, %mul3A_31 : vector<16xi32>
    %shift_right_arithmetic3A_33 = arith.constant 7 : i32
    %shift_right_arithmetic3A_34 = vector.broadcast %shift_right_arithmetic3A_33 : i32 to vector<16xi32>
    %shift_right_arithmetic3A_35 = arith.shrsi %get3A_20, %shift_right_arithmetic3A_34 : vector<16xi32>
    %mul3A_36 = arith.constant 65536 : i32
    %mul3A_37 = vector.broadcast %mul3A_36 : i32 to vector<16xi32>
    %mul3A_38 = arith.muli %shift_right_arithmetic3A_35, %mul3A_37 : vector<16xi32>
    %add3A_39 = arith.addi %mul3A_32, %mul3A_38 : vector<16xi32>
    %and3A = arith.constant 511 : i32
    %and3A_40 = vector.broadcast %and3A : i32 to vector<16xi32>
    %and3A_41 = arith.andi %get3A_27, %and3A_40 : vector<16xi32>
    %mul3A_42 = arith.constant 128 : i32
    %mul3A_43 = vector.broadcast %mul3A_42 : i32 to vector<16xi32>
    %mul3A_44 = arith.muli %and3A_41, %mul3A_43 : vector<16xi32>
    %add3A_45 = arith.addi %add3A_39, %mul3A_44 : vector<16xi32>
    %and3A_46 = arith.constant 127 : i32
    %and3A_47 = vector.broadcast %and3A_46 : i32 to vector<16xi32>
    %and3A_48 = arith.andi %get3A_20, %and3A_47 : vector<16xi32>
    %add3A_49 = arith.addi %add3A_45, %and3A_48 : vector<16xi32>
    %swap3A = arith.constant 0 : index
    %swap3A_50 = tpu.vector_load %arg6[%swap3A] {strides = array<i32>} : memref<512xi32, #tpu.memory_space<vmem>>, vector<16xi32>,
    %swap3A_51 = vector.shape_cast %swap3A_50 : vector<16xi32> to vector<16xi32>
    %swap3A_52 = vector.shape_cast %add3A_49 : vector<16xi32> to vector<16xi32>
    tpu.vector_store %arg6[%swap3A], %swap3A_52 {strides = array<i32>} : memref<512xi32, #tpu.memory_space<vmem>>, vector<16xi32>,
    %get3A_53 = arith.constant 0 : i32
    %get3A_54 = arith.constant 0 : i32
    %get3A_55 = arith.index_cast %get3A_53 : i32 to index
    %get3A_56 = arith.index_cast %get3A_54 : i32 to index
    %get3A_57 = arith.constant 16 : index
    %get3A_58 = tpu.vector_load %arg5[%get3A_55, %get3A_56, %get3A_57] {strides = array<i32>} : memref<4x2x128xi32, #tpu.memory_space<vmem>>, vector<1x1x16xi32>,
    %get3A_59 = vector.shape_cast %get3A_58 : vector<1x1x16xi32> to vector<16xi32>
    %get3A_60 = arith.constant 0 : i32
    %get3A_61 = arith.constant 1 : i32
    %get3A_62 = arith.index_cast %get3A_60 : i32 to index
    %get3A_63 = arith.index_cast %get3A_61 : i32 to index
    %get3A_64 = arith.constant 16 : index
    %get3A_65 = tpu.vector_load %arg5[%get3A_62, %get3A_63, %get3A_64] {strides = array<i32>} : memref<4x2x128xi32, #tpu.memory_space<vmem>>, vector<1x1x16xi32>,
    %get3A_66 = vector.shape_cast %get3A_65 : vector<1x1x16xi32> to vector<16xi32>
    %shift_right_arithmetic3A_67 = arith.constant 9 : i32
    %shift_right_arithmetic3A_68 = vector.broadcast %shift_right_arithmetic3A_67 : i32 to vector<16xi32>
    %shift_right_arithmetic3A_69 = arith.shrsi %get3A_66, %shift_right_arithmetic3A_68 : vector<16xi32>
    %mul3A_70 = arith.constant 524288 : i32
    %mul3A_71 = vector.broadcast %mul3A_70 : i32 to vector<16xi32>
    %mul3A_72 = arith.muli %shift_right_arithmetic3A_69, %mul3A_71 : vector<16xi32>
    %shift_right_arithmetic3A_73 = arith.constant 7 : i32
    %shift_right_arithmetic3A_74 = vector.broadcast %shift_right_arithmetic3A_73 : i32 to vector<16xi32>
    %shift_right_arithmetic3A_75 = arith.shrsi %get3A_59, %shift_right_arithmetic3A_74 : vector<16xi32>
    %mul3A_76 = arith.constant 65536 : i32
    %mul3A_77 = vector.broadcast %mul3A_76 : i32 to vector<16xi32>
    %mul3A_78 = arith.muli %shift_right_arithmetic3A_75, %mul3A_77 : vector<16xi32>
    %add3A_79 = arith.addi %mul3A_72, %mul3A_78 : vector<16xi32>
    %and3A_80 = arith.constant 511 : i32
    %and3A_81 = vector.broadcast %and3A_80 : i32 to vector<16xi32>
    %and3A_82 = arith.andi %get3A_66, %and3A_81 : vector<16xi32>
    %mul3A_83 = arith.constant 128 : i32
    %mul3A_84 = vector.broadcast %mul3A_83 : i32 to vector<16xi32>
    %mul3A_85 = arith.muli %and3A_82, %mul3A_84 : vector<16xi32>
    %add3A_86 = arith.addi %add3A_79, %mul3A_85 : vector<16xi32>
    %and3A_87 = arith.constant 127 : i32
    %and3A_88 = vector.broadcast %and3A_87 : i32 to vector<16xi32>
    %and3A_89 = arith.andi %get3A_59, %and3A_88 : vector<16xi32>
    %add3A_90 = arith.addi %add3A_86, %and3A_89 : vector<16xi32>
    %swap3A_91 = arith.constant 16 : index
    %swap3A_92 = tpu.vector_load %arg6[%swap3A_91] {strides = array<i32>} : memref<512xi32, #tpu.memory_space<vmem>>, vector<16xi32>,
    %swap3A_93 = vector.shape_cast %swap3A_92 : vector<16xi32> to vector<16xi32>
    %swap3A_94 = vector.shape_cast %add3A_90 : vector<16xi32> to vector<16xi32>
    tpu.vector_store %arg6[%swap3A_91], %swap3A_94 {strides = array<i32>} : memref<512xi32, #tpu.memory_space<vmem>>, vector<16xi32>,
    %get3A_95 = arith.constant 0 : i32
    %get3A_96 = arith.constant 0 : i32
    %get3A_97 = arith.index_cast %get3A_95 : i32 to index
    %get3A_98 = arith.index_cast %get3A_96 : i32 to index
    %get3A_99 = arith.constant 32 : index
    %get3A_100 = tpu.vector_load %arg5[%get3A_97, %get3A_98, %get3A_99] {strides = array<i32>} : memref<4x2x128xi32, #tpu.memory_space<vmem>>, vector<1x1x16xi32>,
    %get3A_101 = vector.shape_cast %get3A_100 : vector<1x1x16xi32> to vector<16xi32>
    %get3A_102 = arith.constant 0 : i32
    %get3A_103 = arith.constant 1 : i32
    %get3A_104 = arith.index_cast %get3A_102 : i32 to index
    %get3A_105 = arith.index_cast %get3A_103 : i32 to index
    %get3A_106 = arith.constant 32 : index
    %get3A_107 = tpu.vector_load %arg5[%get3A_104, %get3A_105, %get3A_106] {strides = array<i32>} : memref<4x2x128xi32, #tpu.memory_space<vmem>>, vector<1x1x16xi32>,
    %get3A_108 = vector.shape_cast %get3A_107 : vector<1x1x16xi32> to vector<16xi32>
    %shift_right_arithmetic3A_109 = arith.constant 9 : i32
    %shift_right_arithmetic3A_110 = vector.broadcast %shift_right_arithmetic3A_109 : i32 to vector<16xi32>
    %shift_right_arithmetic3A_111 = arith.shrsi %get3A_108, %shift_right_arithmetic3A_110 : vector<16xi32>
    %mul3A_112 = arith.constant 524288 : i32
    %mul3A_113 = vector.broadcast %mul3A_112 : i32 to vector<16xi32>
    %mul3A_114 = arith.muli %shift_right_arithmetic3A_111, %mul3A_113 : vector<16xi32>
    %shift_right_arithmetic3A_115 = arith.constant 7 : i32
    %shift_right_arithmetic3A_116 = vector.broadcast %shift_right_arithmetic3A_115 : i32 to vector<16xi32>
    %shift_right_arithmetic3A_117 = arith.shrsi %get3A_101, %shift_right_arithmetic3A_116 : vector<16xi32>
    %mul3A_118 = arith.constant 65536 : i32
    %mul3A_119 = vector.broadcast %mul3A_118 : i32 to vector<16xi32>
    %mul3A_120 = arith.muli %shift_right_arithmetic3A_117, %mul3A_119 : vector<16xi32>
    %add3A_121 = arith.addi %mul3A_114, %mul3A_120 : vector<16xi32>
    %and3A_122 = arith.constant 511 : i32
    %and3A_123 = vector.broadcast %and3A_122 : i32 to vector<16xi32>
    %and3A_124 = arith.andi %get3A_108, %and3A_123 : vector<16xi32>
    %mul3A_125 = arith.constant 128 : i32
    %mul3A_126 = vector.broadcast %mul3A_125 : i32 to vector<16xi32>
    %mul3A_127 = arith.muli %and3A_124, %mul3A_126 : vector<16xi32>
    %add3A_128 = arith.addi %add3A_121, %mul3A_127 : vector<16xi32>
    %and3A_129 = arith.constant 127 : i32
    %and3A_130 = vector.broadcast %and3A_129 : i32 to vector<16xi32>
    %and3A_131 = arith.andi %get3A_101, %and3A_130 : vector<16xi32>
    %add3A_132 = arith.addi %add3A_128, %and3A_131 : vector<16xi32>
    %swap3A_133 = arith.constant 32 : index
    %swap3A_134 = tpu.vector_load %arg6[%swap3A_133] {strides = array<i32>} : memref<512xi32, #tpu.memory_space<vmem>>, vector<16xi32>,
    %swap3A_135 = vector.shape_cast %swap3A_134 : vector<16xi32> to vector<16xi32>
    %swap3A_136 = vector.shape_cast %add3A_132 : vector<16xi32> to vector<16xi32>
    tpu.vector_store %arg6[%swap3A_133], %swap3A_136 {strides = array<i32>} : memref<512xi32, #tpu.memory_space<vmem>>, vector<16xi32>,
    %get3A_137 = arith.constant 0 : i32
    %get3A_138 = arith.constant 0 : i32
    %get3A_139 = arith.index_cast %get3A_137 : i32 to index
    %get3A_140 = arith.index_cast %get3A_138 : i32 to index
    %get3A_141 = arith.constant 48 : index
    %get3A_142 = tpu.vector_load %arg5[%get3A_139, %get3A_140, %get3A_141] {strides = array<i32>} : memref<4x2x128xi32, #tpu.memory_space<vmem>>, vector<1x1x16xi32>,
    %get3A_143 = vector.shape_cast %get3A_142 : vector<1x1x16xi32> to vector<16xi32>
    %get3A_144 = arith.constant 0 : i32
    %get3A_145 = arith.constant 1 : i32
    %get3A_146 = arith.index_cast %get3A_144 : i32 to index
    %get3A_147 = arith.index_cast %get3A_145 : i32 to index
    %get3A_148 = arith.constant 48 : index
    %get3A_149 = tpu.vector_load %arg5[%get3A_146, %get3A_147, %get3A_148] {strides = array<i32>} : memref<4x2x128xi32, #tpu.memory_space<vmem>>, vector<1x1x16xi32>,
    %get3A_150 = vector.shape_cast %get3A_149 : vector<1x1x16xi32> to vector<16xi32>
    %shift_right_arithmetic3A_151 = arith.constant 9 : i32
    %shift_right_arithmetic3A_152 = vector.broadcast %shift_right_arithmetic3A_151 : i32 to vector<16xi32>
    %shift_right_arithmetic3A_153 = arith.shrsi %get3A_150, %shift_right_arithmetic3A_152 : vector<16xi32>
    %mul3A_154 = arith.constant 524288 : i32
    %mul3A_155 = vector.broadcast %mul3A_154 : i32 to vector<16xi32>
    %mul3A_156 = arith.muli %shift_right_arithmetic3A_153, %mul3A_155 : vector<16xi32>
    %shift_right_arithmetic3A_157 = arith.constant 7 : i32
    %shift_right_arithmetic3A_158 = vector.broadcast %shift_right_arithmetic3A_157 : i32 to vector<16xi32>
    %shift_right_arithmetic3A_159 = arith.shrsi %get3A_143, %shift_right_arithmetic3A_158 : vector<16xi32>
    %mul3A_160 = arith.constant 65536 : i32
    %mul3A_161 = vector.broadcast %mul3A_160 : i32 to vector<16xi32>
    %mul3A_162 = arith.muli %shift_right_arithmetic3A_159, %mul3A_161 : vector<16xi32>
    %add3A_163 = arith.addi %mul3A_156, %mul3A_162 : vector<16xi32>
    %and3A_164 = arith.constant 511 : i32
    %and3A_165 = vector.broadcast %and3A_164 : i32 to vector<16xi32>
    %and3A_166 = arith.andi %get3A_150, %and3A_165 : vector<16xi32>
    %mul3A_167 = arith.constant 128 : i32
    %mul3A_168 = vector.broadcast %mul3A_167 : i32 to vector<16xi32>
    %mul3A_169 = arith.muli %and3A_166, %mul3A_168 : vector<16xi32>
    %add3A_170 = arith.addi %add3A_163, %mul3A_169 : vector<16xi32>
    %and3A_171 = arith.constant 127 : i32
    %and3A_172 = vector.broadcast %and3A_171 : i32 to vector<16xi32>
    %and3A_173 = arith.andi %get3A_143, %and3A_172 : vector<16xi32>
    %add3A_174 = arith.addi %add3A_170, %and3A_173 : vector<16xi32>
    %swap3A_175 = arith.constant 48 : index
    %swap3A_176 = tpu.vector_load %arg6[%swap3A_175] {strides = array<i32>} : memref<512xi32, #tpu.memory_space<vmem>>, vector<16xi32>,
    %swap3A_177 = vector.shape_cast %swap3A_176 : vector<16xi32> to vector<16xi32>
    %swap3A_178 = vector.shape_cast %add3A_174 : vector<16xi32> to vector<16xi32>
    tpu.vector_store %arg6[%swap3A_175], %swap3A_178 {strides = array<i32>} : memref<512xi32, #tpu.memory_space<vmem>>, vector<16xi32>,
    %get3A_179 = arith.constant 0 : i32
    %get3A_180 = arith.constant 0 : i32
    %get3A_181 = arith.index_cast %get3A_179 : i32 to index
    %get3A_182 = arith.index_cast %get3A_180 : i32 to index
    %get3A_183 = arith.constant 64 : index
    %get3A_184 = tpu.vector_load %arg5[%get3A_181, %get3A_182, %get3A_183] {strides = array<i32>} : memref<4x2x128xi32, #tpu.memory_space<vmem>>, vector<1x1x16xi32>,
    %get3A_185 = vector.shape_cast %get3A_184 : vector<1x1x16xi32> to vector<16xi32>
    %get3A_186 = arith.constant 0 : i32
    %get3A_187 = arith.constant 1 : i32
    %get3A_188 = arith.index_cast %get3A_186 : i32 to index
    %get3A_189 = arith.index_cast %get3A_187 : i32 to index
    %get3A_190 = arith.constant 64 : index
    %get3A_191 = tpu.vector_load %arg5[%get3A_188, %get3A_189, %get3A_190] {strides = array<i32>} : memref<4x2x128xi32, #tpu.memory_space<vmem>>, vector<1x1x16xi32>,
    %get3A_192 = vector.shape_cast %get3A_191 : vector<1x1x16xi32> to vector<16xi32>
    %shift_right_arithmetic3A_193 = arith.constant 9 : i32
    %shift_right_arithmetic3A_194 = vector.broadcast %shift_right_arithmetic3A_193 : i32 to vector<16xi32>
    %shift_right_arithmetic3A_195 = arith.shrsi %get3A_192, %shift_right_arithmetic3A_194 : vector<16xi32>
    %mul3A_196 = arith.constant 524288 : i32
    %mul3A_197 = vector.broadcast %mul3A_196 : i32 to vector<16xi32>
    %mul3A_198 = arith.muli %shift_right_arithmetic3A_195, %mul3A_197 : vector<16xi32>
    %shift_right_arithmetic3A_199 = arith.constant 7 : i32
    %shift_right_arithmetic3A_200 = vector.broadcast %shift_right_arithmetic3A_199 : i32 to vector<16xi32>
    %shift_right_arithmetic3A_201 = arith.shrsi %get3A_185, %shift_right_arithmetic3A_200 : vector<16xi32>
    %mul3A_202 = arith.constant 65536 : i32
    %mul3A_203 = vector.broadcast %mul3A_202 : i32 to vector<16xi32>
    %mul3A_204 = arith.muli %shift_right_arithmetic3A_201, %mul3A_203 : vector<16xi32>
    %add3A_205 = arith.addi %mul3A_198, %mul3A_204 : vector<16xi32>
    %and3A_206 = arith.constant 511 : i32
    %and3A_207 = vector.broadcast %and3A_206 : i32 to vector<16xi32>
    %and3A_208 = arith.andi %get3A_192, %and3A_207 : vector<16xi32>
    %mul3A_209 = arith.constant 128 : i32
    %mul3A_210 = vector.broadcast %mul3A_209 : i32 to vector<16xi32>
    %mul3A_211 = arith.muli %and3A_208, %mul3A_210 : vector<16xi32>
    %add3A_212 = arith.addi %add3A_205, %mul3A_211 : vector<16xi32>
    %and3A_213 = arith.constant 127 : i32
    %and3A_214 = vector.broadcast %and3A_213 : i32 to vector<16xi32>
    %and3A_215 = arith.andi %get3A_185, %and3A_214 : vector<16xi32>
    %add3A_216 = arith.addi %add3A_212, %and3A_215 : vector<16xi32>
    %swap3A_217 = arith.constant 64 : index
    %swap3A_218 = tpu.vector_load %arg6[%swap3A_217] {strides = array<i32>} : memref<512xi32, #tpu.memory_space<vmem>>, vector<16xi32>,
    %swap3A_219 = vector.shape_cast %swap3A_218 : vector<16xi32> to vector<16xi32>
    %swap3A_220 = vector.shape_cast %add3A_216 : vector<16xi32> to vector<16xi32>
    tpu.vector_store %arg6[%swap3A_217], %swap3A_220 {strides = array<i32>} : memref<512xi32, #tpu.memory_space<vmem>>, vector<16xi32>,
    %get3A_221 = arith.constant 0 : i32
    %get3A_222 = arith.constant 0 : i32
    %get3A_223 = arith.index_cast %get3A_221 : i32 to index
    %get3A_224 = arith.index_cast %get3A_222 : i32 to index
    %get3A_225 = arith.constant 80 : index
    %get3A_226 = tpu.vector_load %arg5[%get3A_223, %get3A_224, %get3A_225] {strides = array<i32>} : memref<4x2x128xi32, #tpu.memory_space<vmem>>, vector<1x1x16xi32>,
    %get3A_227 = vector.shape_cast %get3A_226 : vector<1x1x16xi32> to vector<16xi32>
    %get3A_228 = arith.constant 0 : i32
    %get3A_229 = arith.constant 1 : i32
    %get3A_230 = arith.index_cast %get3A_228 : i32 to index
    %get3A_231 = arith.index_cast %get3A_229 : i32 to index
    %get3A_232 = arith.constant 80 : index
    %get3A_233 = tpu.vector_load %arg5[%get3A_230, %get3A_231, %get3A_232] {strides = array<i32>} : memref<4x2x128xi32, #tpu.memory_space<vmem>>, vector<1x1x16xi32>,
    %get3A_234 = vector.shape_cast %get3A_233 : vector<1x1x16xi32> to vector<16xi32>
    %shift_right_arithmetic3A_235 = arith.constant 9 : i32
    %shift_right_arithmetic3A_236 = vector.broadcast %shift_right_arithmetic3A_235 : i32 to vector<16xi32>
    %shift_right_arithmetic3A_237 = arith.shrsi %get3A_234, %shift_right_arithmetic3A_236 : vector<16xi32>
    %mul3A_238 = arith.constant 524288 : i32
    %mul3A_239 = vector.broadcast %mul3A_238 : i32 to vector<16xi32>
    %mul3A_240 = arith.muli %shift_right_arithmetic3A_237, %mul3A_239 : vector<16xi32>
    %shift_right_arithmetic3A_241 = arith.constant 7 : i32
    %shift_right_arithmetic3A_242 = vector.broadcast %shift_right_arithmetic3A_241 : i32 to vector<16xi32>
    %shift_right_arithmetic3A_243 = arith.shrsi %get3A_227, %shift_right_arithmetic3A_242 : vector<16xi32>
    %mul3A_244 = arith.constant 65536 : i32
    %mul3A_245 = vector.broadcast %mul3A_244 : i32 to vector<16xi32>
    %mul3A_246 = arith.muli %shift_right_arithmetic3A_243, %mul3A_245 : vector<16xi32>
    %add3A_247 = arith.addi %mul3A_240, %mul3A_246 : vector<16xi32>
    %and3A_248 = arith.constant 511 : i32
    %and3A_249 = vector.broadcast %and3A_248 : i32 to vector<16xi32>
    %and3A_250 = arith.andi %get3A_234, %and3A_249 : vector<16xi32>
    %mul3A_251 = arith.constant 128 : i32
    %mul3A_252 = vector.broadcast %mul3A_251 : i32 to vector<16xi32>
    %mul3A_253 = arith.muli %and3A_250, %mul3A_252 : vector<16xi32>
    %add3A_254 = arith.addi %add3A_247, %mul3A_253 : vector<16xi32>
    %and3A_255 = arith.constant 127 : i32
    %and3A_256 = vector.broadcast %and3A_255 : i32 to vector<16xi32>
    %and3A_257 = arith.andi %get3A_227, %and3A_256 : vector<16xi32>
    %add3A_258 = arith.addi %add3A_254, %and3A_257 : vector<16xi32>
    %swap3A_259 = arith.constant 80 : index
    %swap3A_260 = tpu.vector_load %arg6[%swap3A_259] {strides = array<i32>} : memref<512xi32, #tpu.memory_space<vmem>>, vector<16xi32>,
    %swap3A_261 = vector.shape_cast %swap3A_260 : vector<16xi32> to vector<16xi32>
    %swap3A_262 = vector.shape_cast %add3A_258 : vector<16xi32> to vector<16xi32>
    tpu.vector_store %arg6[%swap3A_259], %swap3A_262 {strides = array<i32>} : memref<512xi32, #tpu.memory_space<vmem>>, vector<16xi32>,
    %get3A_263 = arith.constant 0 : i32
    %get3A_264 = arith.constant 0 : i32
    %get3A_265 = arith.index_cast %get3A_263 : i32 to index
    %get3A_266 = arith.index_cast %get3A_264 : i32 to index
    %get3A_267 = arith.constant 96 : index
    %get3A_268 = tpu.vector_load %arg5[%get3A_265, %get3A_266, %get3A_267] {strides = array<i32>} : memref<4x2x128xi32, #tpu.memory_space<vmem>>, vector<1x1x16xi32>,
    %get3A_269 = vector.shape_cast %get3A_268 : vector<1x1x16xi32> to vector<16xi32>
    %get3A_270 = arith.constant 0 : i32
    %get3A_271 = arith.constant 1 : i32
    %get3A_272 = arith.index_cast %get3A_270 : i32 to index
    %get3A_273 = arith.index_cast %get3A_271 : i32 to index
    %get3A_274 = arith.constant 96 : index
    %get3A_275 = tpu.vector_load %arg5[%get3A_272, %get3A_273, %get3A_274] {strides = array<i32>} : memref<4x2x128xi32, #tpu.memory_space<vmem>>, vector<1x1x16xi32>,
    %get3A_276 = vector.shape_cast %get3A_275 : vector<1x1x16xi32> to vector<16xi32>
    %shift_right_arithmetic3A_277 = arith.constant 9 : i32
    %shift_right_arithmetic3A_278 = vector.broadcast %shift_right_arithmetic3A_277 : i32 to vector<16xi32>
    %shift_right_arithmetic3A_279 = arith.shrsi %get3A_276, %shift_right_arithmetic3A_278 : vector<16xi32>
    %mul3A_280 = arith.constant 524288 : i32
    %mul3A_281 = vector.broadcast %mul3A_280 : i32 to vector<16xi32>
    %mul3A_282 = arith.muli %shift_right_arithmetic3A_279, %mul3A_281 : vector<16xi32>
    %shift_right_arithmetic3A_283 = arith.constant 7 : i32
    %shift_right_arithmetic3A_284 = vector.broadcast %shift_right_arithmetic3A_283 : i32 to vector<16xi32>
    %shift_right_arithmetic3A_285 = arith.shrsi %get3A_269, %shift_right_arithmetic3A_284 : vector<16xi32>
    %mul3A_286 = arith.constant 65536 : i32
    %mul3A_287 = vector.broadcast %mul3A_286 : i32 to vector<16xi32>
    %mul3A_288 = arith.muli %shift_right_arithmetic3A_285, %mul3A_287 : vector<16xi32>
    %add3A_289 = arith.addi %mul3A_282, %mul3A_288 : vector<16xi32>
    %and3A_290 = arith.constant 511 : i32
    %and3A_291 = vector.broadcast %and3A_290 : i32 to vector<16xi32>
    %and3A_292 = arith.andi %get3A_276, %and3A_291 : vector<16xi32>
    %mul3A_293 = arith.constant 128 : i32
    %mul3A_294 = vector.broadcast %mul3A_293 : i32 to vector<16xi32>
    %mul3A_295 = arith.muli %and3A_292, %mul3A_294 : vector<16xi32>
    %add3A_296 = arith.addi %add3A_289, %mul3A_295 : vector<16xi32>
    %and3A_297 = arith.constant 127 : i32
    %and3A_298 = vector.broadcast %and3A_297 : i32 to vector<16xi32>
    %and3A_299 = arith.andi %get3A_269, %and3A_298 : vector<16xi32>
    %add3A_300 = arith.addi %add3A_296, %and3A_299 : vector<16xi32>
    %swap3A_301 = arith.constant 96 : index
    %swap3A_302 = tpu.vector_load %arg6[%swap3A_301] {strides = array<i32>} : memref<512xi32, #tpu.memory_space<vmem>>, vector<16xi32>,
    %swap3A_303 = vector.shape_cast %swap3A_302 : vector<16xi32> to vector<16xi32>
    %swap3A_304 = vector.shape_cast %add3A_300 : vector<16xi32> to vector<16xi32>
    tpu.vector_store %arg6[%swap3A_301], %swap3A_304 {strides = array<i32>} : memref<512xi32, #tpu.memory_space<vmem>>, vector<16xi32>,
    %get3A_305 = arith.constant 0 : i32
    %get3A_306 = arith.constant 0 : i32
    %get3A_307 = arith.index_cast %get3A_305 : i32 to index
    %get3A_308 = arith.index_cast %get3A_306 : i32 to index
    %get3A_309 = arith.constant 112 : index
    %get3A_310 = tpu.vector_load %arg5[%get3A_307, %get3A_308, %get3A_309] {strides = array<i32>} : memref<4x2x128xi32, #tpu.memory_space<vmem>>, vector<1x1x16xi32>,
    %get3A_311 = vector.shape_cast %get3A_310 : vector<1x1x16xi32> to vector<16xi32>
    %get3A_312 = arith.constant 0 : i32
    %get3A_313 = arith.constant 1 : i32
    %get3A_314 = arith.index_cast %get3A_312 : i32 to index
    %get3A_315 = arith.index_cast %get3A_313 : i32 to index
    %get3A_316 = arith.constant 112 : index
    %get3A_317 = tpu.vector_load %arg5[%get3A_314, %get3A_315, %get3A_316] {strides = array<i32>} : memref<4x2x128xi32, #tpu.memory_space<vmem>>, vector<1x1x16xi32>,
    %get3A_318 = vector.shape_cast %get3A_317 : vector<1x1x16xi32> to vector<16xi32>
    %shift_right_arithmetic3A_319 = arith.constant 9 : i32
    %shift_right_arithmetic3A_320 = vector.broadcast %shift_right_arithmetic3A_319 : i32 to vector<16xi32>
    %shift_right_arithmetic3A_321 = arith.shrsi %get3A_318, %shift_right_arithmetic3A_320 : vector<16xi32>
    %mul3A_322 = arith.constant 524288 : i32
    %mul3A_323 = vector.broadcast %mul3A_322 : i32 to vector<16xi32>
    %mul3A_324 = arith.muli %shift_right_arithmetic3A_321, %mul3A_323 : vector<16xi32>
    %shift_right_arithmetic3A_325 = arith.constant 7 : i32
    %shift_right_arithmetic3A_326 = vector.broadcast %shift_right_arithmetic3A_325 : i32 to vector<16xi32>
    %shift_right_arithmetic3A_327 = arith.shrsi %get3A_311, %shift_right_arithmetic3A_326 : vector<16xi32>
    %mul3A_328 = arith.constant 65536 : i32
    %mul3A_329 = vector.broadcast %mul3A_328 : i32 to vector<16xi32>
    %mul3A_330 = arith.muli %shift_right_arithmetic3A_327, %mul3A_329 : vector<16xi32>
    %add3A_331 = arith.addi %mul3A_324, %mul3A_330 : vector<16xi32>
    %and3A_332 = arith.constant 511 : i32
    %and3A_333 = vector.broadcast %and3A_332 : i32 to vector<16xi32>
    %and3A_334 = arith.andi %get3A_318, %and3A_333 : vector<16xi32>
    %mul3A_335 = arith.constant 128 : i32
    %mul3A_336 = vector.broadcast %mul3A_335 : i32 to vector<16xi32>
    %mul3A_337 = arith.muli %and3A_334, %mul3A_336 : vector<16xi32>
    %add3A_338 = arith.addi %add3A_331, %mul3A_337 : vector<16xi32>
    %and3A_339 = arith.constant 127 : i32
    %and3A_340 = vector.broadcast %and3A_339 : i32 to vector<16xi32>
    %and3A_341 = arith.andi %get3A_311, %and3A_340 : vector<16xi32>
    %add3A_342 = arith.addi %add3A_338, %and3A_341 : vector<16xi32>
    %swap3A_343 = arith.constant 112 : index
    %swap3A_344 = tpu.vector_load %arg6[%swap3A_343] {strides = array<i32>} : memref<512xi32, #tpu.memory_space<vmem>>, vector<16xi32>,
    %swap3A_345 = vector.shape_cast %swap3A_344 : vector<16xi32> to vector<16xi32>
    %swap3A_346 = vector.shape_cast %add3A_342 : vector<16xi32> to vector<16xi32>
    tpu.vector_store %arg6[%swap3A_343], %swap3A_346 {strides = array<i32>} : memref<512xi32, #tpu.memory_space<vmem>>, vector<16xi32>,
    %dma_start3A_347 = arith.constant 0 : i32
    %dma_start3A_348 = tpu.memref_slice %arg7[%dma_start3A_347] : memref<512xf32, #tpu.memory_space<vmem>> -> memref<128xf32, #tpu.memory_space<vmem>>
    %dma_start3A_349 = arith.constant 0 : i32
    %dma_start3A_350 = tpu.memref_slice %arg6[%dma_start3A_349] : memref<512xi32, #tpu.memory_space<vmem>> -> memref<128xi32, #tpu.memory_space<vmem>>
    %dma_start3A_351 = arith.constant 0 : i32
    %dma_start3A_352 = tpu.memref_slice %arg3[%dma_start3A_351] : memref<1048576xf32, #tpu.memory_space<hbm>> -> memref<1048576xf32, #tpu.memory_space<hbm>>
    tpu.enqueue_indirect_dma source(%dma_start3A_352 : memref<1048576xf32, #tpu.memory_space<hbm>>) target(%dma_start3A_348 : memref<128xf32, #tpu.memory_space<vmem>>) offsets(%dma_start3A_350 : memref<128xi32, #tpu.memory_space<vmem>>) semaphore(%arg8 : memref<!tpu.dma_semaphore, #tpu.memory_space<semaphore_mem>>)
    %get3A_353 = arith.constant 1 : i32
    %get3A_354 = arith.constant 0 : i32
    %get3A_355 = arith.index_cast %get3A_353 : i32 to index
    %get3A_356 = arith.index_cast %get3A_354 : i32 to index
    %get3A_357 = arith.constant 0 : index
    %get3A_358 = tpu.vector_load %arg5[%get3A_355, %get3A_356, %get3A_357] {strides = array<i32>} : memref<4x2x128xi32, #tpu.memory_space<vmem>>, vector<1x1x16xi32>,
    %get3A_359 = vector.shape_cast %get3A_358 : vector<1x1x16xi32> to vector<16xi32>
    %get3A_360 = arith.constant 1 : i32
    %get3A_361 = arith.constant 1 : i32
    %get3A_362 = arith.index_cast %get3A_360 : i32 to index
    %get3A_363 = arith.index_cast %get3A_361 : i32 to index
    %get3A_364 = arith.constant 0 : index
    %get3A_365 = tpu.vector_load %arg5[%get3A_362, %get3A_363, %get3A_364] {strides = array<i32>} : memref<4x2x128xi32, #tpu.memory_space<vmem>>, vector<1x1x16xi32>,
    %get3A_366 = vector.shape_cast %get3A_365 : vector<1x1x16xi32> to vector<16xi32>
    %shift_right_arithmetic3A_367 = arith.constant 9 : i32
    %shift_right_arithmetic3A_368 = vector.broadcast %shift_right_arithmetic3A_367 : i32 to vector<16xi32>
    %shift_right_arithmetic3A_369 = arith.shrsi %get3A_366, %shift_right_arithmetic3A_368 : vector<16xi32>
    %mul3A_370 = arith.constant 524288 : i32
    %mul3A_371 = vector.broadcast %mul3A_370 : i32 to vector<16xi32>
    %mul3A_372 = arith.muli %shift_right_arithmetic3A_369, %mul3A_371 : vector<16xi32>
    %shift_right_arithmetic3A_373 = arith.constant 7 : i32
    %shift_right_arithmetic3A_374 = vector.broadcast %shift_right_arithmetic3A_373 : i32 to vector<16xi32>
    %shift_right_arithmetic3A_375 = arith.shrsi %get3A_359, %shift_right_arithmetic3A_374 : vector<16xi32>
    %mul3A_376 = arith.constant 65536 : i32
    %mul3A_377 = vector.broadcast %mul3A_376 : i32 to vector<16xi32>
    %mul3A_378 = arith.muli %shift_right_arithmetic3A_375, %mul3A_377 : vector<16xi32>
    %add3A_379 = arith.addi %mul3A_372, %mul3A_378 : vector<16xi32>
    %and3A_380 = arith.constant 511 : i32
    %and3A_381 = vector.broadcast %and3A_380 : i32 to vector<16xi32>
    %and3A_382 = arith.andi %get3A_366, %and3A_381 : vector<16xi32>
    %mul3A_383 = arith.constant 128 : i32
    %mul3A_384 = vector.broadcast %mul3A_383 : i32 to vector<16xi32>
    %mul3A_385 = arith.muli %and3A_382, %mul3A_384 : vector<16xi32>
    %add3A_386 = arith.addi %add3A_379, %mul3A_385 : vector<16xi32>
    %and3A_387 = arith.constant 127 : i32
    %and3A_388 = vector.broadcast %and3A_387 : i32 to vector<16xi32>
    %and3A_389 = arith.andi %get3A_359, %and3A_388 : vector<16xi32>
    %add3A_390 = arith.addi %add3A_386, %and3A_389 : vector<16xi32>
    %swap3A_391 = arith.constant 128 : index
    %swap3A_392 = tpu.vector_load %arg6[%swap3A_391] {strides = array<i32>} : memref<512xi32, #tpu.memory_space<vmem>>, vector<16xi32>,
    %swap3A_393 = vector.shape_cast %swap3A_392 : vector<16xi32> to vector<16xi32>
    %swap3A_394 = vector.shape_cast %add3A_390 : vector<16xi32> to vector<16xi32>
    tpu.vector_store %arg6[%swap3A_391], %swap3A_394 {strides = array<i32>} : memref<512xi32, #tpu.memory_space<vmem>>, vector<16xi32>,
    %get3A_395 = arith.constant 1 : i32
    %get3A_396 = arith.constant 0 : i32
    %get3A_397 = arith.index_cast %get3A_395 : i32 to index
    %get3A_398 = arith.index_cast %get3A_396 : i32 to index
    %get3A_399 = arith.constant 16 : index
    %get3A_400 = tpu.vector_load %arg5[%get3A_397, %get3A_398, %get3A_399] {strides = array<i32>} : memref<4x2x128xi32, #tpu.memory_space<vmem>>, vector<1x1x16xi32>,
    %get3A_401 = vector.shape_cast %get3A_400 : vector<1x1x16xi32> to vector<16xi32>
    %get3A_402 = arith.constant 1 : i32
    %get3A_403 = arith.constant 1 : i32
    %get3A_404 = arith.index_cast %get3A_402 : i32 to index
    %get3A_405 = arith.index_cast %get3A_403 : i32 to index
    %get3A_406 = arith.constant 16 : index
    %get3A_407 = tpu.vector_load %arg5[%get3A_404, %get3A_405, %get3A_406] {strides = array<i32>} : memref<4x2x128xi32, #tpu.memory_space<vmem>>, vector<1x1x16xi32>,
    %get3A_408 = vector.shape_cast %get3A_407 : vector<1x1x16xi32> to vector<16xi32>
    %shift_right_arithmetic3A_409 = arith.constant 9 : i32
    %shift_right_arithmetic3A_410 = vector.broadcast %shift_right_arithmetic3A_409 : i32 to vector<16xi32>
    %shift_right_arithmetic3A_411 = arith.shrsi %get3A_408, %shift_right_arithmetic3A_410 : vector<16xi32>
    %mul3A_412 = arith.constant 524288 : i32
    %mul3A_413 = vector.broadcast %mul3A_412 : i32 to vector<16xi32>
    %mul3A_414 = arith.muli %shift_right_arithmetic3A_411, %mul3A_413 : vector<16xi32>
    %shift_right_arithmetic3A_415 = arith.constant 7 : i32
    %shift_right_arithmetic3A_416 = vector.broadcast %shift_right_arithmetic3A_415 : i32 to vector<16xi32>
    %shift_right_arithmetic3A_417 = arith.shrsi %get3A_401, %shift_right_arithmetic3A_416 : vector<16xi32>
    %mul3A_418 = arith.constant 65536 : i32
    %mul3A_419 = vector.broadcast %mul3A_418 : i32 to vector<16xi32>
    %mul3A_420 = arith.muli %shift_right_arithmetic3A_417, %mul3A_419 : vector<16xi32>
    %add3A_421 = arith.addi %mul3A_414, %mul3A_420 : vector<16xi32>
    %and3A_422 = arith.constant 511 : i32
    %and3A_423 = vector.broadcast %and3A_422 : i32 to vector<16xi32>
    %and3A_424 = arith.andi %get3A_408, %and3A_423 : vector<16xi32>
    %mul3A_425 = arith.constant 128 : i32
    %mul3A_426 = vector.broadcast %mul3A_425 : i32 to vector<16xi32>
    %mul3A_427 = arith.muli %and3A_424, %mul3A_426 : vector<16xi32>
    %add3A_428 = arith.addi %add3A_421, %mul3A_427 : vector<16xi32>
    %and3A_429 = arith.constant 127 : i32
    %and3A_430 = vector.broadcast %and3A_429 : i32 to vector<16xi32>
    %and3A_431 = arith.andi %get3A_401, %and3A_430 : vector<16xi32>
    %add3A_432 = arith.addi %add3A_428, %and3A_431 : vector<16xi32>
    %swap3A_433 = arith.constant 144 : index
    %swap3A_434 = tpu.vector_load %arg6[%swap3A_433] {strides = array<i32>} : memref<512xi32, #tpu.memory_space<vmem>>, vector<16xi32>,
    %swap3A_435 = vector.shape_cast %swap3A_434 : vector<16xi32> to vector<16xi32>
    %swap3A_436 = vector.shape_cast %add3A_432 : vector<16xi32> to vector<16xi32>
    tpu.vector_store %arg6[%swap3A_433], %swap3A_436 {strides = array<i32>} : memref<512xi32, #tpu.memory_space<vmem>>, vector<16xi32>,
    %get3A_437 = arith.constant 1 : i32
    %get3A_438 = arith.constant 0 : i32
    %get3A_439 = arith.index_cast %get3A_437 : i32 to index
    %get3A_440 = arith.index_cast %get3A_438 : i32 to index
    %get3A_441 = arith.constant 32 : index
    %get3A_442 = tpu.vector_load %arg5[%get3A_439, %get3A_440, %get3A_441] {strides = array<i32>} : memref<4x2x128xi32, #tpu.memory_space<vmem>>, vector<1x1x16xi32>,
    %get3A_443 = vector.shape_cast %get3A_442 : vector<1x1x16xi32> to vector<16xi32>
    %get3A_444 = arith.constant 1 : i32
    %get3A_445 = arith.constant 1 : i32
    %get3A_446 = arith.index_cast %get3A_444 : i32 to index
    %get3A_447 = arith.index_cast %get3A_445 : i32 to index
    %get3A_448 = arith.constant 32 : index
    %get3A_449 = tpu.vector_load %arg5[%get3A_446, %get3A_447, %get3A_448] {strides = array<i32>} : memref<4x2x128xi32, #tpu.memory_space<vmem>>, vector<1x1x16xi32>,
    %get3A_450 = vector.shape_cast %get3A_449 : vector<1x1x16xi32> to vector<16xi32>
    %shift_right_arithmetic3A_451 = arith.constant 9 : i32
    %shift_right_arithmetic3A_452 = vector.broadcast %shift_right_arithmetic3A_451 : i32 to vector<16xi32>
    %shift_right_arithmetic3A_453 = arith.shrsi %get3A_450, %shift_right_arithmetic3A_452 : vector<16xi32>
    %mul3A_454 = arith.constant 524288 : i32
    %mul3A_455 = vector.broadcast %mul3A_454 : i32 to vector<16xi32>
    %mul3A_456 = arith.muli %shift_right_arithmetic3A_453, %mul3A_455 : vector<16xi32>
    %shift_right_arithmetic3A_457 = arith.constant 7 : i32
    %shift_right_arithmetic3A_458 = vector.broadcast %shift_right_arithmetic3A_457 : i32 to vector<16xi32>
    %shift_right_arithmetic3A_459 = arith.shrsi %get3A_443, %shift_right_arithmetic3A_458 : vector<16xi32>
    %mul3A_460 = arith.constant 65536 : i32
    %mul3A_461 = vector.broadcast %mul3A_460 : i32 to vector<16xi32>
    %mul3A_462 = arith.muli %shift_right_arithmetic3A_459, %mul3A_461 : vector<16xi32>
    %add3A_463 = arith.addi %mul3A_456, %mul3A_462 : vector<16xi32>
    %and3A_464 = arith.constant 511 : i32
    %and3A_465 = vector.broadcast %and3A_464 : i32 to vector<16xi32>
    %and3A_466 = arith.andi %get3A_450, %and3A_465 : vector<16xi32>
    %mul3A_467 = arith.constant 128 : i32
    %mul3A_468 = vector.broadcast %mul3A_467 : i32 to vector<16xi32>
    %mul3A_469 = arith.muli %and3A_466, %mul3A_468 : vector<16xi32>
    %add3A_470 = arith.addi %add3A_463, %mul3A_469 : vector<16xi32>
    %and3A_471 = arith.constant 127 : i32
    %and3A_472 = vector.broadcast %and3A_471 : i32 to vector<16xi32>
    %and3A_473 = arith.andi %get3A_443, %and3A_472 : vector<16xi32>
    %add3A_474 = arith.addi %add3A_470, %and3A_473 : vector<16xi32>
    %swap3A_475 = arith.constant 160 : index
    %swap3A_476 = tpu.vector_load %arg6[%swap3A_475] {strides = array<i32>} : memref<512xi32, #tpu.memory_space<vmem>>, vector<16xi32>,
    %swap3A_477 = vector.shape_cast %swap3A_476 : vector<16xi32> to vector<16xi32>
    %swap3A_478 = vector.shape_cast %add3A_474 : vector<16xi32> to vector<16xi32>
    tpu.vector_store %arg6[%swap3A_475], %swap3A_478 {strides = array<i32>} : memref<512xi32, #tpu.memory_space<vmem>>, vector<16xi32>,
    %get3A_479 = arith.constant 1 : i32
    %get3A_480 = arith.constant 0 : i32
    %get3A_481 = arith.index_cast %get3A_479 : i32 to index
    %get3A_482 = arith.index_cast %get3A_480 : i32 to index
    %get3A_483 = arith.constant 48 : index
    %get3A_484 = tpu.vector_load %arg5[%get3A_481, %get3A_482, %get3A_483] {strides = array<i32>} : memref<4x2x128xi32, #tpu.memory_space<vmem>>, vector<1x1x16xi32>,
    %get3A_485 = vector.shape_cast %get3A_484 : vector<1x1x16xi32> to vector<16xi32>
    %get3A_486 = arith.constant 1 : i32
    %get3A_487 = arith.constant 1 : i32
    %get3A_488 = arith.index_cast %get3A_486 : i32 to index
    %get3A_489 = arith.index_cast %get3A_487 : i32 to index
    %get3A_490 = arith.constant 48 : index
    %get3A_491 = tpu.vector_load %arg5[%get3A_488, %get3A_489, %get3A_490] {strides = array<i32>} : memref<4x2x128xi32, #tpu.memory_space<vmem>>, vector<1x1x16xi32>,
    %get3A_492 = vector.shape_cast %get3A_491 : vector<1x1x16xi32> to vector<16xi32>
    %shift_right_arithmetic3A_493 = arith.constant 9 : i32
    %shift_right_arithmetic3A_494 = vector.broadcast %shift_right_arithmetic3A_493 : i32 to vector<16xi32>
    %shift_right_arithmetic3A_495 = arith.shrsi %get3A_492, %shift_right_arithmetic3A_494 : vector<16xi32>
    %mul3A_496 = arith.constant 524288 : i32
    %mul3A_497 = vector.broadcast %mul3A_496 : i32 to vector<16xi32>
    %mul3A_498 = arith.muli %shift_right_arithmetic3A_495, %mul3A_497 : vector<16xi32>
    %shift_right_arithmetic3A_499 = arith.constant 7 : i32
    %shift_right_arithmetic3A_500 = vector.broadcast %shift_right_arithmetic3A_499 : i32 to vector<16xi32>
    %shift_right_arithmetic3A_501 = arith.shrsi %get3A_485, %shift_right_arithmetic3A_500 : vector<16xi32>
    %mul3A_502 = arith.constant 65536 : i32
    %mul3A_503 = vector.broadcast %mul3A_502 : i32 to vector<16xi32>
    %mul3A_504 = arith.muli %shift_right_arithmetic3A_501, %mul3A_503 : vector<16xi32>
    %add3A_505 = arith.addi %mul3A_498, %mul3A_504 : vector<16xi32>
    %and3A_506 = arith.constant 511 : i32
    %and3A_507 = vector.broadcast %and3A_506 : i32 to vector<16xi32>
    %and3A_508 = arith.andi %get3A_492, %and3A_507 : vector<16xi32>
    %mul3A_509 = arith.constant 128 : i32
    %mul3A_510 = vector.broadcast %mul3A_509 : i32 to vector<16xi32>
    %mul3A_511 = arith.muli %and3A_508, %mul3A_510 : vector<16xi32>
    %add3A_512 = arith.addi %add3A_505, %mul3A_511 : vector<16xi32>
    %and3A_513 = arith.constant 127 : i32
    %and3A_514 = vector.broadcast %and3A_513 : i32 to vector<16xi32>
    %and3A_515 = arith.andi %get3A_485, %and3A_514 : vector<16xi32>
    %add3A_516 = arith.addi %add3A_512, %and3A_515 : vector<16xi32>
    %swap3A_517 = arith.constant 176 : index
    %swap3A_518 = tpu.vector_load %arg6[%swap3A_517] {strides = array<i32>} : memref<512xi32, #tpu.memory_space<vmem>>, vector<16xi32>,
    %swap3A_519 = vector.shape_cast %swap3A_518 : vector<16xi32> to vector<16xi32>
    %swap3A_520 = vector.shape_cast %add3A_516 : vector<16xi32> to vector<16xi32>
    tpu.vector_store %arg6[%swap3A_517], %swap3A_520 {strides = array<i32>} : memref<512xi32, #tpu.memory_space<vmem>>, vector<16xi32>,
    %get3A_521 = arith.constant 1 : i32
    %get3A_522 = arith.constant 0 : i32
    %get3A_523 = arith.index_cast %get3A_521 : i32 to index
    %get3A_524 = arith.index_cast %get3A_522 : i32 to index
    %get3A_525 = arith.constant 64 : index
    %get3A_526 = tpu.vector_load %arg5[%get3A_523, %get3A_524, %get3A_525] {strides = array<i32>} : memref<4x2x128xi32, #tpu.memory_space<vmem>>, vector<1x1x16xi32>,
    %get3A_527 = vector.shape_cast %get3A_526 : vector<1x1x16xi32> to vector<16xi32>
    %get3A_528 = arith.constant 1 : i32
    %get3A_529 = arith.constant 1 : i32
    %get3A_530 = arith.index_cast %get3A_528 : i32 to index
    %get3A_531 = arith.index_cast %get3A_529 : i32 to index
    %get3A_532 = arith.constant 64 : index
    %get3A_533 = tpu.vector_load %arg5[%get3A_530, %get3A_531, %get3A_532] {strides = array<i32>} : memref<4x2x128xi32, #tpu.memory_space<vmem>>, vector<1x1x16xi32>,
    %get3A_534 = vector.shape_cast %get3A_533 : vector<1x1x16xi32> to vector<16xi32>
    %shift_right_arithmetic3A_535 = arith.constant 9 : i32
    %shift_right_arithmetic3A_536 = vector.broadcast %shift_right_arithmetic3A_535 : i32 to vector<16xi32>
    %shift_right_arithmetic3A_537 = arith.shrsi %get3A_534, %shift_right_arithmetic3A_536 : vector<16xi32>
    %mul3A_538 = arith.constant 524288 : i32
    %mul3A_539 = vector.broadcast %mul3A_538 : i32 to vector<16xi32>
    %mul3A_540 = arith.muli %shift_right_arithmetic3A_537, %mul3A_539 : vector<16xi32>
    %shift_right_arithmetic3A_541 = arith.constant 7 : i32
    %shift_right_arithmetic3A_542 = vector.broadcast %shift_right_arithmetic3A_541 : i32 to vector<16xi32>
    %shift_right_arithmetic3A_543 = arith.shrsi %get3A_527, %shift_right_arithmetic3A_542 : vector<16xi32>
    %mul3A_544 = arith.constant 65536 : i32
    %mul3A_545 = vector.broadcast %mul3A_544 : i32 to vector<16xi32>
    %mul3A_546 = arith.muli %shift_right_arithmetic3A_543, %mul3A_545 : vector<16xi32>
    %add3A_547 = arith.addi %mul3A_540, %mul3A_546 : vector<16xi32>
    %and3A_548 = arith.constant 511 : i32
    %and3A_549 = vector.broadcast %and3A_548 : i32 to vector<16xi32>
    %and3A_550 = arith.andi %get3A_534, %and3A_549 : vector<16xi32>
    %mul3A_551 = arith.constant 128 : i32
    %mul3A_552 = vector.broadcast %mul3A_551 : i32 to vector<16xi32>
    %mul3A_553 = arith.muli %and3A_550, %mul3A_552 : vector<16xi32>
    %add3A_554 = arith.addi %add3A_547, %mul3A_553 : vector<16xi32>
    %and3A_555 = arith.constant 127 : i32
    %and3A_556 = vector.broadcast %and3A_555 : i32 to vector<16xi32>
    %and3A_557 = arith.andi %get3A_527, %and3A_556 : vector<16xi32>
    %add3A_558 = arith.addi %add3A_554, %and3A_557 : vector<16xi32>
    %swap3A_559 = arith.constant 192 : index
    %swap3A_560 = tpu.vector_load %arg6[%swap3A_559] {strides = array<i32>} : memref<512xi32, #tpu.memory_space<vmem>>, vector<16xi32>,
    %swap3A_561 = vector.shape_cast %swap3A_560 : vector<16xi32> to vector<16xi32>
    %swap3A_562 = vector.shape_cast %add3A_558 : vector<16xi32> to vector<16xi32>
    tpu.vector_store %arg6[%swap3A_559], %swap3A_562 {strides = array<i32>} : memref<512xi32, #tpu.memory_space<vmem>>, vector<16xi32>,
    %get3A_563 = arith.constant 1 : i32
    %get3A_564 = arith.constant 0 : i32
    %get3A_565 = arith.index_cast %get3A_563 : i32 to index
    %get3A_566 = arith.index_cast %get3A_564 : i32 to index
    %get3A_567 = arith.constant 80 : index
    %get3A_568 = tpu.vector_load %arg5[%get3A_565, %get3A_566, %get3A_567] {strides = array<i32>} : memref<4x2x128xi32, #tpu.memory_space<vmem>>, vector<1x1x16xi32>,
    %get3A_569 = vector.shape_cast %get3A_568 : vector<1x1x16xi32> to vector<16xi32>
    %get3A_570 = arith.constant 1 : i32
    %get3A_571 = arith.constant 1 : i32
    %get3A_572 = arith.index_cast %get3A_570 : i32 to index
    %get3A_573 = arith.index_cast %get3A_571 : i32 to index
    %get3A_574 = arith.constant 80 : index
    %get3A_575 = tpu.vector_load %arg5[%get3A_572, %get3A_573, %get3A_574] {strides = array<i32>} : memref<4x2x128xi32, #tpu.memory_space<vmem>>, vector<1x1x16xi32>,
    %get3A_576 = vector.shape_cast %get3A_575 : vector<1x1x16xi32> to vector<16xi32>
    %shift_right_arithmetic3A_577 = arith.constant 9 : i32
    %shift_right_arithmetic3A_578 = vector.broadcast %shift_right_arithmetic3A_577 : i32 to vector<16xi32>
    %shift_right_arithmetic3A_579 = arith.shrsi %get3A_576, %shift_right_arithmetic3A_578 : vector<16xi32>
    %mul3A_580 = arith.constant 524288 : i32
    %mul3A_581 = vector.broadcast %mul3A_580 : i32 to vector<16xi32>
    %mul3A_582 = arith.muli %shift_right_arithmetic3A_579, %mul3A_581 : vector<16xi32>
    %shift_right_arithmetic3A_583 = arith.constant 7 : i32
    %shift_right_arithmetic3A_584 = vector.broadcast %shift_right_arithmetic3A_583 : i32 to vector<16xi32>
    %shift_right_arithmetic3A_585 = arith.shrsi %get3A_569, %shift_right_arithmetic3A_584 : vector<16xi32>
    %mul3A_586 = arith.constant 65536 : i32
    %mul3A_587 = vector.broadcast %mul3A_586 : i32 to vector<16xi32>
    %mul3A_588 = arith.muli %shift_right_arithmetic3A_585, %mul3A_587 : vector<16xi32>
    %add3A_589 = arith.addi %mul3A_582, %mul3A_588 : vector<16xi32>
    %and3A_590 = arith.constant 511 : i32
    %and3A_591 = vector.broadcast %and3A_590 : i32 to vector<16xi32>
    %and3A_592 = arith.andi %get3A_576, %and3A_591 : vector<16xi32>
    %mul3A_593 = arith.constant 128 : i32
    %mul3A_594 = vector.broadcast %mul3A_593 : i32 to vector<16xi32>
    %mul3A_595 = arith.muli %and3A_592, %mul3A_594 : vector<16xi32>
    %add3A_596 = arith.addi %add3A_589, %mul3A_595 : vector<16xi32>
    %and3A_597 = arith.constant 127 : i32
    %and3A_598 = vector.broadcast %and3A_597 : i32 to vector<16xi32>
    %and3A_599 = arith.andi %get3A_569, %and3A_598 : vector<16xi32>
    %add3A_600 = arith.addi %add3A_596, %and3A_599 : vector<16xi32>
    %swap3A_601 = arith.constant 208 : index
    %swap3A_602 = tpu.vector_load %arg6[%swap3A_601] {strides = array<i32>} : memref<512xi32, #tpu.memory_space<vmem>>, vector<16xi32>,
    %swap3A_603 = vector.shape_cast %swap3A_602 : vector<16xi32> to vector<16xi32>
    %swap3A_604 = vector.shape_cast %add3A_600 : vector<16xi32> to vector<16xi32>
    tpu.vector_store %arg6[%swap3A_601], %swap3A_604 {strides = array<i32>} : memref<512xi32, #tpu.memory_space<vmem>>, vector<16xi32>,
    %get3A_605 = arith.constant 1 : i32
    %get3A_606 = arith.constant 0 : i32
    %get3A_607 = arith.index_cast %get3A_605 : i32 to index
    %get3A_608 = arith.index_cast %get3A_606 : i32 to index
    %get3A_609 = arith.constant 96 : index
    %get3A_610 = tpu.vector_load %arg5[%get3A_607, %get3A_608, %get3A_609] {strides = array<i32>} : memref<4x2x128xi32, #tpu.memory_space<vmem>>, vector<1x1x16xi32>,
    %get3A_611 = vector.shape_cast %get3A_610 : vector<1x1x16xi32> to vector<16xi32>
    %get3A_612 = arith.constant 1 : i32
    %get3A_613 = arith.constant 1 : i32
    %get3A_614 = arith.index_cast %get3A_612 : i32 to index
    %get3A_615 = arith.index_cast %get3A_613 : i32 to index
    %get3A_616 = arith.constant 96 : index
    %get3A_617 = tpu.vector_load %arg5[%get3A_614, %get3A_615, %get3A_616] {strides = array<i32>} : memref<4x2x128xi32, #tpu.memory_space<vmem>>, vector<1x1x16xi32>,
    %get3A_618 = vector.shape_cast %get3A_617 : vector<1x1x16xi32> to vector<16xi32>
    %shift_right_arithmetic3A_619 = arith.constant 9 : i32
    %shift_right_arithmetic3A_620 = vector.broadcast %shift_right_arithmetic3A_619 : i32 to vector<16xi32>
    %shift_right_arithmetic3A_621 = arith.shrsi %get3A_618, %shift_right_arithmetic3A_620 : vector<16xi32>
    %mul3A_622 = arith.constant 524288 : i32
    %mul3A_623 = vector.broadcast %mul3A_622 : i32 to vector<16xi32>
    %mul3A_624 = arith.muli %shift_right_arithmetic3A_621, %mul3A_623 : vector<16xi32>
    %shift_right_arithmetic3A_625 = arith.constant 7 : i32
    %shift_right_arithmetic3A_626 = vector.broadcast %shift_right_arithmetic3A_625 : i32 to vector<16xi32>
    %shift_right_arithmetic3A_627 = arith.shrsi %get3A_611, %shift_right_arithmetic3A_626 : vector<16xi32>
    %mul3A_628 = arith.constant 65536 : i32
    %mul3A_629 = vector.broadcast %mul3A_628 : i32 to vector<16xi32>
    %mul3A_630 = arith.muli %shift_right_arithmetic3A_627, %mul3A_629 : vector<16xi32>
    %add3A_631 = arith.addi %mul3A_624, %mul3A_630 : vector<16xi32>
    %and3A_632 = arith.constant 511 : i32
    %and3A_633 = vector.broadcast %and3A_632 : i32 to vector<16xi32>
    %and3A_634 = arith.andi %get3A_618, %and3A_633 : vector<16xi32>
    %mul3A_635 = arith.constant 128 : i32
    %mul3A_636 = vector.broadcast %mul3A_635 : i32 to vector<16xi32>
    %mul3A_637 = arith.muli %and3A_634, %mul3A_636 : vector<16xi32>
    %add3A_638 = arith.addi %add3A_631, %mul3A_637 : vector<16xi32>
    %and3A_639 = arith.constant 127 : i32
    %and3A_640 = vector.broadcast %and3A_639 : i32 to vector<16xi32>
    %and3A_641 = arith.andi %get3A_611, %and3A_640 : vector<16xi32>
    %add3A_642 = arith.addi %add3A_638, %and3A_641 : vector<16xi32>
    %swap3A_643 = arith.constant 224 : index
    %swap3A_644 = tpu.vector_load %arg6[%swap3A_643] {strides = array<i32>} : memref<512xi32, #tpu.memory_space<vmem>>, vector<16xi32>,
    %swap3A_645 = vector.shape_cast %swap3A_644 : vector<16xi32> to vector<16xi32>
    %swap3A_646 = vector.shape_cast %add3A_642 : vector<16xi32> to vector<16xi32>
    tpu.vector_store %arg6[%swap3A_643], %swap3A_646 {strides = array<i32>} : memref<512xi32, #tpu.memory_space<vmem>>, vector<16xi32>,
    %get3A_647 = arith.constant 1 : i32
    %get3A_648 = arith.constant 0 : i32
    %get3A_649 = arith.index_cast %get3A_647 : i32 to index
    %get3A_650 = arith.index_cast %get3A_648 : i32 to index
    %get3A_651 = arith.constant 112 : index
    %get3A_652 = tpu.vector_load %arg5[%get3A_649, %get3A_650, %get3A_651] {strides = array<i32>} : memref<4x2x128xi32, #tpu.memory_space<vmem>>, vector<1x1x16xi32>,
    %get3A_653 = vector.shape_cast %get3A_652 : vector<1x1x16xi32> to vector<16xi32>
    %get3A_654 = arith.constant 1 : i32
    %get3A_655 = arith.constant 1 : i32
    %get3A_656 = arith.index_cast %get3A_654 : i32 to index
    %get3A_657 = arith.index_cast %get3A_655 : i32 to index
    %get3A_658 = arith.constant 112 : index
    %get3A_659 = tpu.vector_load %arg5[%get3A_656, %get3A_657, %get3A_658] {strides = array<i32>} : memref<4x2x128xi32, #tpu.memory_space<vmem>>, vector<1x1x16xi32>,
    %get3A_660 = vector.shape_cast %get3A_659 : vector<1x1x16xi32> to vector<16xi32>
    %shift_right_arithmetic3A_661 = arith.constant 9 : i32
    %shift_right_arithmetic3A_662 = vector.broadcast %shift_right_arithmetic3A_661 : i32 to vector<16xi32>
    %shift_right_arithmetic3A_663 = arith.shrsi %get3A_660, %shift_right_arithmetic3A_662 : vector<16xi32>
    %mul3A_664 = arith.constant 524288 : i32
    %mul3A_665 = vector.broadcast %mul3A_664 : i32 to vector<16xi32>
    %mul3A_666 = arith.muli %shift_right_arithmetic3A_663, %mul3A_665 : vector<16xi32>
    %shift_right_arithmetic3A_667 = arith.constant 7 : i32
    %shift_right_arithmetic3A_668 = vector.broadcast %shift_right_arithmetic3A_667 : i32 to vector<16xi32>
    %shift_right_arithmetic3A_669 = arith.shrsi %get3A_653, %shift_right_arithmetic3A_668 : vector<16xi32>
    %mul3A_670 = arith.constant 65536 : i32
    %mul3A_671 = vector.broadcast %mul3A_670 : i32 to vector<16xi32>
    %mul3A_672 = arith.muli %shift_right_arithmetic3A_669, %mul3A_671 : vector<16xi32>
    %add3A_673 = arith.addi %mul3A_666, %mul3A_672 : vector<16xi32>
    %and3A_674 = arith.constant 511 : i32
    %and3A_675 = vector.broadcast %and3A_674 : i32 to vector<16xi32>
    %and3A_676 = arith.andi %get3A_660, %and3A_675 : vector<16xi32>
    %mul3A_677 = arith.constant 128 : i32
    %mul3A_678 = vector.broadcast %mul3A_677 : i32 to vector<16xi32>
    %mul3A_679 = arith.muli %and3A_676, %mul3A_678 : vector<16xi32>
    %add3A_680 = arith.addi %add3A_673, %mul3A_679 : vector<16xi32>
    %and3A_681 = arith.constant 127 : i32
    %and3A_682 = vector.broadcast %and3A_681 : i32 to vector<16xi32>
    %and3A_683 = arith.andi %get3A_653, %and3A_682 : vector<16xi32>
    %add3A_684 = arith.addi %add3A_680, %and3A_683 : vector<16xi32>
    %swap3A_685 = arith.constant 240 : index
    %swap3A_686 = tpu.vector_load %arg6[%swap3A_685] {strides = array<i32>} : memref<512xi32, #tpu.memory_space<vmem>>, vector<16xi32>,
    %swap3A_687 = vector.shape_cast %swap3A_686 : vector<16xi32> to vector<16xi32>
    %swap3A_688 = vector.shape_cast %add3A_684 : vector<16xi32> to vector<16xi32>
    tpu.vector_store %arg6[%swap3A_685], %swap3A_688 {strides = array<i32>} : memref<512xi32, #tpu.memory_space<vmem>>, vector<16xi32>,
    %dma_start3A_689 = arith.constant 128 : i32
    %dma_start3A_690 = tpu.memref_slice %arg7[%dma_start3A_689] : memref<512xf32, #tpu.memory_space<vmem>> -> memref<128xf32, #tpu.memory_space<vmem>>
    %dma_start3A_691 = arith.constant 128 : i32
    %dma_start3A_692 = tpu.memref_slice %arg6[%dma_start3A_691] : memref<512xi32, #tpu.memory_space<vmem>> -> memref<128xi32, #tpu.memory_space<vmem>>
    %dma_start3A_693 = arith.constant 0 : i32
    %dma_start3A_694 = tpu.memref_slice %arg3[%dma_start3A_693] : memref<1048576xf32, #tpu.memory_space<hbm>> -> memref<1048576xf32, #tpu.memory_space<hbm>>
    tpu.enqueue_indirect_dma source(%dma_start3A_694 : memref<1048576xf32, #tpu.memory_space<hbm>>) target(%dma_start3A_690 : memref<128xf32, #tpu.memory_space<vmem>>) offsets(%dma_start3A_692 : memref<128xi32, #tpu.memory_space<vmem>>) semaphore(%arg8 : memref<!tpu.dma_semaphore, #tpu.memory_space<semaphore_mem>>)
    %get3A_695 = arith.constant 2 : i32
    %get3A_696 = arith.constant 0 : i32
    %get3A_697 = arith.index_cast %get3A_695 : i32 to index
    %get3A_698 = arith.index_cast %get3A_696 : i32 to index
    %get3A_699 = arith.constant 0 : index
    %get3A_700 = tpu.vector_load %arg5[%get3A_697, %get3A_698, %get3A_699] {strides = array<i32>} : memref<4x2x128xi32, #tpu.memory_space<vmem>>, vector<1x1x16xi32>,
    %get3A_701 = vector.shape_cast %get3A_700 : vector<1x1x16xi32> to vector<16xi32>
    %get3A_702 = arith.constant 2 : i32
    %get3A_703 = arith.constant 1 : i32
    %get3A_704 = arith.index_cast %get3A_702 : i32 to index
    %get3A_705 = arith.index_cast %get3A_703 : i32 to index
    %get3A_706 = arith.constant 0 : index
    %get3A_707 = tpu.vector_load %arg5[%get3A_704, %get3A_705, %get3A_706] {strides = array<i32>} : memref<4x2x128xi32, #tpu.memory_space<vmem>>, vector<1x1x16xi32>,
    %get3A_708 = vector.shape_cast %get3A_707 : vector<1x1x16xi32> to vector<16xi32>
    %shift_right_arithmetic3A_709 = arith.constant 9 : i32
    %shift_right_arithmetic3A_710 = vector.broadcast %shift_right_arithmetic3A_709 : i32 to vector<16xi32>
    %shift_right_arithmetic3A_711 = arith.shrsi %get3A_708, %shift_right_arithmetic3A_710 : vector<16xi32>
    %mul3A_712 = arith.constant 524288 : i32
    %mul3A_713 = vector.broadcast %mul3A_712 : i32 to vector<16xi32>
    %mul3A_714 = arith.muli %shift_right_arithmetic3A_711, %mul3A_713 : vector<16xi32>
    %shift_right_arithmetic3A_715 = arith.constant 7 : i32
    %shift_right_arithmetic3A_716 = vector.broadcast %shift_right_arithmetic3A_715 : i32 to vector<16xi32>
    %shift_right_arithmetic3A_717 = arith.shrsi %get3A_701, %shift_right_arithmetic3A_716 : vector<16xi32>
    %mul3A_718 = arith.constant 65536 : i32
    %mul3A_719 = vector.broadcast %mul3A_718 : i32 to vector<16xi32>
    %mul3A_720 = arith.muli %shift_right_arithmetic3A_717, %mul3A_719 : vector<16xi32>
    %add3A_721 = arith.addi %mul3A_714, %mul3A_720 : vector<16xi32>
    %and3A_722 = arith.constant 511 : i32
    %and3A_723 = vector.broadcast %and3A_722 : i32 to vector<16xi32>
    %and3A_724 = arith.andi %get3A_708, %and3A_723 : vector<16xi32>
    %mul3A_725 = arith.constant 128 : i32
    %mul3A_726 = vector.broadcast %mul3A_725 : i32 to vector<16xi32>
    %mul3A_727 = arith.muli %and3A_724, %mul3A_726 : vector<16xi32>
    %add3A_728 = arith.addi %add3A_721, %mul3A_727 : vector<16xi32>
    %and3A_729 = arith.constant 127 : i32
    %and3A_730 = vector.broadcast %and3A_729 : i32 to vector<16xi32>
    %and3A_731 = arith.andi %get3A_701, %and3A_730 : vector<16xi32>
    %add3A_732 = arith.addi %add3A_728, %and3A_731 : vector<16xi32>
    %swap3A_733 = arith.constant 256 : index
    %swap3A_734 = tpu.vector_load %arg6[%swap3A_733] {strides = array<i32>} : memref<512xi32, #tpu.memory_space<vmem>>, vector<16xi32>,
    %swap3A_735 = vector.shape_cast %swap3A_734 : vector<16xi32> to vector<16xi32>
    %swap3A_736 = vector.shape_cast %add3A_732 : vector<16xi32> to vector<16xi32>
    tpu.vector_store %arg6[%swap3A_733], %swap3A_736 {strides = array<i32>} : memref<512xi32, #tpu.memory_space<vmem>>, vector<16xi32>,
    %get3A_737 = arith.constant 2 : i32
    %get3A_738 = arith.constant 0 : i32
    %get3A_739 = arith.index_cast %get3A_737 : i32 to index
    %get3A_740 = arith.index_cast %get3A_738 : i32 to index
    %get3A_741 = arith.constant 16 : index
    %get3A_742 = tpu.vector_load %arg5[%get3A_739, %get3A_740, %get3A_741] {strides = array<i32>} : memref<4x2x128xi32, #tpu.memory_space<vmem>>, vector<1x1x16xi32>,
    %get3A_743 = vector.shape_cast %get3A_742 : vector<1x1x16xi32> to vector<16xi32>
    %get3A_744 = arith.constant 2 : i32
    %get3A_745 = arith.constant 1 : i32
    %get3A_746 = arith.index_cast %get3A_744 : i32 to index
    %get3A_747 = arith.index_cast %get3A_745 : i32 to index
    %get3A_748 = arith.constant 16 : index
    %get3A_749 = tpu.vector_load %arg5[%get3A_746, %get3A_747, %get3A_748] {strides = array<i32>} : memref<4x2x128xi32, #tpu.memory_space<vmem>>, vector<1x1x16xi32>,
    %get3A_750 = vector.shape_cast %get3A_749 : vector<1x1x16xi32> to vector<16xi32>
    %shift_right_arithmetic3A_751 = arith.constant 9 : i32
    %shift_right_arithmetic3A_752 = vector.broadcast %shift_right_arithmetic3A_751 : i32 to vector<16xi32>
    %shift_right_arithmetic3A_753 = arith.shrsi %get3A_750, %shift_right_arithmetic3A_752 : vector<16xi32>
    %mul3A_754 = arith.constant 524288 : i32
    %mul3A_755 = vector.broadcast %mul3A_754 : i32 to vector<16xi32>
    %mul3A_756 = arith.muli %shift_right_arithmetic3A_753, %mul3A_755 : vector<16xi32>
    %shift_right_arithmetic3A_757 = arith.constant 7 : i32
    %shift_right_arithmetic3A_758 = vector.broadcast %shift_right_arithmetic3A_757 : i32 to vector<16xi32>
    %shift_right_arithmetic3A_759 = arith.shrsi %get3A_743, %shift_right_arithmetic3A_758 : vector<16xi32>
    %mul3A_760 = arith.constant 65536 : i32
    %mul3A_761 = vector.broadcast %mul3A_760 : i32 to vector<16xi32>
    %mul3A_762 = arith.muli %shift_right_arithmetic3A_759, %mul3A_761 : vector<16xi32>
    %add3A_763 = arith.addi %mul3A_756, %mul3A_762 : vector<16xi32>
    %and3A_764 = arith.constant 511 : i32
    %and3A_765 = vector.broadcast %and3A_764 : i32 to vector<16xi32>
    %and3A_766 = arith.andi %get3A_750, %and3A_765 : vector<16xi32>
    %mul3A_767 = arith.constant 128 : i32
    %mul3A_768 = vector.broadcast %mul3A_767 : i32 to vector<16xi32>
    %mul3A_769 = arith.muli %and3A_766, %mul3A_768 : vector<16xi32>
    %add3A_770 = arith.addi %add3A_763, %mul3A_769 : vector<16xi32>
    %and3A_771 = arith.constant 127 : i32
    %and3A_772 = vector.broadcast %and3A_771 : i32 to vector<16xi32>
    %and3A_773 = arith.andi %get3A_743, %and3A_772 : vector<16xi32>
    %add3A_774 = arith.addi %add3A_770, %and3A_773 : vector<16xi32>
    %swap3A_775 = arith.constant 272 : index
    %swap3A_776 = tpu.vector_load %arg6[%swap3A_775] {strides = array<i32>} : memref<512xi32, #tpu.memory_space<vmem>>, vector<16xi32>,
    %swap3A_777 = vector.shape_cast %swap3A_776 : vector<16xi32> to vector<16xi32>
    %swap3A_778 = vector.shape_cast %add3A_774 : vector<16xi32> to vector<16xi32>
    tpu.vector_store %arg6[%swap3A_775], %swap3A_778 {strides = array<i32>} : memref<512xi32, #tpu.memory_space<vmem>>, vector<16xi32>,
    %get3A_779 = arith.constant 2 : i32
    %get3A_780 = arith.constant 0 : i32
    %get3A_781 = arith.index_cast %get3A_779 : i32 to index
    %get3A_782 = arith.index_cast %get3A_780 : i32 to index
    %get3A_783 = arith.constant 32 : index
    %get3A_784 = tpu.vector_load %arg5[%get3A_781, %get3A_782, %get3A_783] {strides = array<i32>} : memref<4x2x128xi32, #tpu.memory_space<vmem>>, vector<1x1x16xi32>,
    %get3A_785 = vector.shape_cast %get3A_784 : vector<1x1x16xi32> to vector<16xi32>
    %get3A_786 = arith.constant 2 : i32
    %get3A_787 = arith.constant 1 : i32
    %get3A_788 = arith.index_cast %get3A_786 : i32 to index
    %get3A_789 = arith.index_cast %get3A_787 : i32 to index
    %get3A_790 = arith.constant 32 : index
    %get3A_791 = tpu.vector_load %arg5[%get3A_788, %get3A_789, %get3A_790] {strides = array<i32>} : memref<4x2x128xi32, #tpu.memory_space<vmem>>, vector<1x1x16xi32>,
    %get3A_792 = vector.shape_cast %get3A_791 : vector<1x1x16xi32> to vector<16xi32>
    %shift_right_arithmetic3A_793 = arith.constant 9 : i32
    %shift_right_arithmetic3A_794 = vector.broadcast %shift_right_arithmetic3A_793 : i32 to vector<16xi32>
    %shift_right_arithmetic3A_795 = arith.shrsi %get3A_792, %shift_right_arithmetic3A_794 : vector<16xi32>
    %mul3A_796 = arith.constant 524288 : i32
    %mul3A_797 = vector.broadcast %mul3A_796 : i32 to vector<16xi32>
    %mul3A_798 = arith.muli %shift_right_arithmetic3A_795, %mul3A_797 : vector<16xi32>
    %shift_right_arithmetic3A_799 = arith.constant 7 : i32
    %shift_right_arithmetic3A_800 = vector.broadcast %shift_right_arithmetic3A_799 : i32 to vector<16xi32>
    %shift_right_arithmetic3A_801 = arith.shrsi %get3A_785, %shift_right_arithmetic3A_800 : vector<16xi32>
    %mul3A_802 = arith.constant 65536 : i32
    %mul3A_803 = vector.broadcast %mul3A_802 : i32 to vector<16xi32>
    %mul3A_804 = arith.muli %shift_right_arithmetic3A_801, %mul3A_803 : vector<16xi32>
    %add3A_805 = arith.addi %mul3A_798, %mul3A_804 : vector<16xi32>
    %and3A_806 = arith.constant 511 : i32
    %and3A_807 = vector.broadcast %and3A_806 : i32 to vector<16xi32>
    %and3A_808 = arith.andi %get3A_792, %and3A_807 : vector<16xi32>
    %mul3A_809 = arith.constant 128 : i32
    %mul3A_810 = vector.broadcast %mul3A_809 : i32 to vector<16xi32>
    %mul3A_811 = arith.muli %and3A_808, %mul3A_810 : vector<16xi32>
    %add3A_812 = arith.addi %add3A_805, %mul3A_811 : vector<16xi32>
    %and3A_813 = arith.constant 127 : i32
    %and3A_814 = vector.broadcast %and3A_813 : i32 to vector<16xi32>
    %and3A_815 = arith.andi %get3A_785, %and3A_814 : vector<16xi32>
    %add3A_816 = arith.addi %add3A_812, %and3A_815 : vector<16xi32>
    %swap3A_817 = arith.constant 288 : index
    %swap3A_818 = tpu.vector_load %arg6[%swap3A_817] {strides = array<i32>} : memref<512xi32, #tpu.memory_space<vmem>>, vector<16xi32>,
    %swap3A_819 = vector.shape_cast %swap3A_818 : vector<16xi32> to vector<16xi32>
    %swap3A_820 = vector.shape_cast %add3A_816 : vector<16xi32> to vector<16xi32>
    tpu.vector_store %arg6[%swap3A_817], %swap3A_820 {strides = array<i32>} : memref<512xi32, #tpu.memory_space<vmem>>, vector<16xi32>,
    %get3A_821 = arith.constant 2 : i32
    %get3A_822 = arith.constant 0 : i32
    %get3A_823 = arith.index_cast %get3A_821 : i32 to index
    %get3A_824 = arith.index_cast %get3A_822 : i32 to index
    %get3A_825 = arith.constant 48 : index
    %get3A_826 = tpu.vector_load %arg5[%get3A_823, %get3A_824, %get3A_825] {strides = array<i32>} : memref<4x2x128xi32, #tpu.memory_space<vmem>>, vector<1x1x16xi32>,
    %get3A_827 = vector.shape_cast %get3A_826 : vector<1x1x16xi32> to vector<16xi32>
    %get3A_828 = arith.constant 2 : i32
    %get3A_829 = arith.constant 1 : i32
    %get3A_830 = arith.index_cast %get3A_828 : i32 to index
    %get3A_831 = arith.index_cast %get3A_829 : i32 to index
    %get3A_832 = arith.constant 48 : index
    %get3A_833 = tpu.vector_load %arg5[%get3A_830, %get3A_831, %get3A_832] {strides = array<i32>} : memref<4x2x128xi32, #tpu.memory_space<vmem>>, vector<1x1x16xi32>,
    %get3A_834 = vector.shape_cast %get3A_833 : vector<1x1x16xi32> to vector<16xi32>
    %shift_right_arithmetic3A_835 = arith.constant 9 : i32
    %shift_right_arithmetic3A_836 = vector.broadcast %shift_right_arithmetic3A_835 : i32 to vector<16xi32>
    %shift_right_arithmetic3A_837 = arith.shrsi %get3A_834, %shift_right_arithmetic3A_836 : vector<16xi32>
    %mul3A_838 = arith.constant 524288 : i32
    %mul3A_839 = vector.broadcast %mul3A_838 : i32 to vector<16xi32>
    %mul3A_840 = arith.muli %shift_right_arithmetic3A_837, %mul3A_839 : vector<16xi32>
    %shift_right_arithmetic3A_841 = arith.constant 7 : i32
    %shift_right_arithmetic3A_842 = vector.broadcast %shift_right_arithmetic3A_841 : i32 to vector<16xi32>
    %shift_right_arithmetic3A_843 = arith.shrsi %get3A_827, %shift_right_arithmetic3A_842 : vector<16xi32>
    %mul3A_844 = arith.constant 65536 : i32
    %mul3A_845 = vector.broadcast %mul3A_844 : i32 to vector<16xi32>
    %mul3A_846 = arith.muli %shift_right_arithmetic3A_843, %mul3A_845 : vector<16xi32>
    %add3A_847 = arith.addi %mul3A_840, %mul3A_846 : vector<16xi32>
    %and3A_848 = arith.constant 511 : i32
    %and3A_849 = vector.broadcast %and3A_848 : i32 to vector<16xi32>
    %and3A_850 = arith.andi %get3A_834, %and3A_849 : vector<16xi32>
    %mul3A_851 = arith.constant 128 : i32
    %mul3A_852 = vector.broadcast %mul3A_851 : i32 to vector<16xi32>
    %mul3A_853 = arith.muli %and3A_850, %mul3A_852 : vector<16xi32>
    %add3A_854 = arith.addi %add3A_847, %mul3A_853 : vector<16xi32>
    %and3A_855 = arith.constant 127 : i32
    %and3A_856 = vector.broadcast %and3A_855 : i32 to vector<16xi32>
    %and3A_857 = arith.andi %get3A_827, %and3A_856 : vector<16xi32>
    %add3A_858 = arith.addi %add3A_854, %and3A_857 : vector<16xi32>
    %swap3A_859 = arith.constant 304 : index
    %swap3A_860 = tpu.vector_load %arg6[%swap3A_859] {strides = array<i32>} : memref<512xi32, #tpu.memory_space<vmem>>, vector<16xi32>,
    %swap3A_861 = vector.shape_cast %swap3A_860 : vector<16xi32> to vector<16xi32>
    %swap3A_862 = vector.shape_cast %add3A_858 : vector<16xi32> to vector<16xi32>
    tpu.vector_store %arg6[%swap3A_859], %swap3A_862 {strides = array<i32>} : memref<512xi32, #tpu.memory_space<vmem>>, vector<16xi32>,
    %get3A_863 = arith.constant 2 : i32
    %get3A_864 = arith.constant 0 : i32
    %get3A_865 = arith.index_cast %get3A_863 : i32 to index
    %get3A_866 = arith.index_cast %get3A_864 : i32 to index
    %get3A_867 = arith.constant 64 : index
    %get3A_868 = tpu.vector_load %arg5[%get3A_865, %get3A_866, %get3A_867] {strides = array<i32>} : memref<4x2x128xi32, #tpu.memory_space<vmem>>, vector<1x1x16xi32>,
    %get3A_869 = vector.shape_cast %get3A_868 : vector<1x1x16xi32> to vector<16xi32>
    %get3A_870 = arith.constant 2 : i32
    %get3A_871 = arith.constant 1 : i32
    %get3A_872 = arith.index_cast %get3A_870 : i32 to index
    %get3A_873 = arith.index_cast %get3A_871 : i32 to index
    %get3A_874 = arith.constant 64 : index
    %get3A_875 = tpu.vector_load %arg5[%get3A_872, %get3A_873, %get3A_874] {strides = array<i32>} : memref<4x2x128xi32, #tpu.memory_space<vmem>>, vector<1x1x16xi32>,
    %get3A_876 = vector.shape_cast %get3A_875 : vector<1x1x16xi32> to vector<16xi32>
    %shift_right_arithmetic3A_877 = arith.constant 9 : i32
    %shift_right_arithmetic3A_878 = vector.broadcast %shift_right_arithmetic3A_877 : i32 to vector<16xi32>
    %shift_right_arithmetic3A_879 = arith.shrsi %get3A_876, %shift_right_arithmetic3A_878 : vector<16xi32>
    %mul3A_880 = arith.constant 524288 : i32
    %mul3A_881 = vector.broadcast %mul3A_880 : i32 to vector<16xi32>
    %mul3A_882 = arith.muli %shift_right_arithmetic3A_879, %mul3A_881 : vector<16xi32>
    %shift_right_arithmetic3A_883 = arith.constant 7 : i32
    %shift_right_arithmetic3A_884 = vector.broadcast %shift_right_arithmetic3A_883 : i32 to vector<16xi32>
    %shift_right_arithmetic3A_885 = arith.shrsi %get3A_869, %shift_right_arithmetic3A_884 : vector<16xi32>
    %mul3A_886 = arith.constant 65536 : i32
    %mul3A_887 = vector.broadcast %mul3A_886 : i32 to vector<16xi32>
    %mul3A_888 = arith.muli %shift_right_arithmetic3A_885, %mul3A_887 : vector<16xi32>
    %add3A_889 = arith.addi %mul3A_882, %mul3A_888 : vector<16xi32>
    %and3A_890 = arith.constant 511 : i32
    %and3A_891 = vector.broadcast %and3A_890 : i32 to vector<16xi32>
    %and3A_892 = arith.andi %get3A_876, %and3A_891 : vector<16xi32>
    %mul3A_893 = arith.constant 128 : i32
    %mul3A_894 = vector.broadcast %mul3A_893 : i32 to vector<16xi32>
    %mul3A_895 = arith.muli %and3A_892, %mul3A_894 : vector<16xi32>
    %add3A_896 = arith.addi %add3A_889, %mul3A_895 : vector<16xi32>
    %and3A_897 = arith.constant 127 : i32
    %and3A_898 = vector.broadcast %and3A_897 : i32 to vector<16xi32>
    %and3A_899 = arith.andi %get3A_869, %and3A_898 : vector<16xi32>
    %add3A_900 = arith.addi %add3A_896, %and3A_899 : vector<16xi32>
    %swap3A_901 = arith.constant 320 : index
    %swap3A_902 = tpu.vector_load %arg6[%swap3A_901] {strides = array<i32>} : memref<512xi32, #tpu.memory_space<vmem>>, vector<16xi32>,
    %swap3A_903 = vector.shape_cast %swap3A_902 : vector<16xi32> to vector<16xi32>
    %swap3A_904 = vector.shape_cast %add3A_900 : vector<16xi32> to vector<16xi32>
    tpu.vector_store %arg6[%swap3A_901], %swap3A_904 {strides = array<i32>} : memref<512xi32, #tpu.memory_space<vmem>>, vector<16xi32>,
    %get3A_905 = arith.constant 2 : i32
    %get3A_906 = arith.constant 0 : i32
    %get3A_907 = arith.index_cast %get3A_905 : i32 to index
    %get3A_908 = arith.index_cast %get3A_906 : i32 to index
    %get3A_909 = arith.constant 80 : index
    %get3A_910 = tpu.vector_load %arg5[%get3A_907, %get3A_908, %get3A_909] {strides = array<i32>} : memref<4x2x128xi32, #tpu.memory_space<vmem>>, vector<1x1x16xi32>,
    %get3A_911 = vector.shape_cast %get3A_910 : vector<1x1x16xi32> to vector<16xi32>
    %get3A_912 = arith.constant 2 : i32
    %get3A_913 = arith.constant 1 : i32
    %get3A_914 = arith.index_cast %get3A_912 : i32 to index
    %get3A_915 = arith.index_cast %get3A_913 : i32 to index
    %get3A_916 = arith.constant 80 : index
    %get3A_917 = tpu.vector_load %arg5[%get3A_914, %get3A_915, %get3A_916] {strides = array<i32>} : memref<4x2x128xi32, #tpu.memory_space<vmem>>, vector<1x1x16xi32>,
    %get3A_918 = vector.shape_cast %get3A_917 : vector<1x1x16xi32> to vector<16xi32>
    %shift_right_arithmetic3A_919 = arith.constant 9 : i32
    %shift_right_arithmetic3A_920 = vector.broadcast %shift_right_arithmetic3A_919 : i32 to vector<16xi32>
    %shift_right_arithmetic3A_921 = arith.shrsi %get3A_918, %shift_right_arithmetic3A_920 : vector<16xi32>
    %mul3A_922 = arith.constant 524288 : i32
    %mul3A_923 = vector.broadcast %mul3A_922 : i32 to vector<16xi32>
    %mul3A_924 = arith.muli %shift_right_arithmetic3A_921, %mul3A_923 : vector<16xi32>
    %shift_right_arithmetic3A_925 = arith.constant 7 : i32
    %shift_right_arithmetic3A_926 = vector.broadcast %shift_right_arithmetic3A_925 : i32 to vector<16xi32>
    %shift_right_arithmetic3A_927 = arith.shrsi %get3A_911, %shift_right_arithmetic3A_926 : vector<16xi32>
    %mul3A_928 = arith.constant 65536 : i32
    %mul3A_929 = vector.broadcast %mul3A_928 : i32 to vector<16xi32>
    %mul3A_930 = arith.muli %shift_right_arithmetic3A_927, %mul3A_929 : vector<16xi32>
    %add3A_931 = arith.addi %mul3A_924, %mul3A_930 : vector<16xi32>
    %and3A_932 = arith.constant 511 : i32
    %and3A_933 = vector.broadcast %and3A_932 : i32 to vector<16xi32>
    %and3A_934 = arith.andi %get3A_918, %and3A_933 : vector<16xi32>
    %mul3A_935 = arith.constant 128 : i32
    %mul3A_936 = vector.broadcast %mul3A_935 : i32 to vector<16xi32>
    %mul3A_937 = arith.muli %and3A_934, %mul3A_936 : vector<16xi32>
    %add3A_938 = arith.addi %add3A_931, %mul3A_937 : vector<16xi32>
    %and3A_939 = arith.constant 127 : i32
    %and3A_940 = vector.broadcast %and3A_939 : i32 to vector<16xi32>
    %and3A_941 = arith.andi %get3A_911, %and3A_940 : vector<16xi32>
    %add3A_942 = arith.addi %add3A_938, %and3A_941 : vector<16xi32>
    %swap3A_943 = arith.constant 336 : index
    %swap3A_944 = tpu.vector_load %arg6[%swap3A_943] {strides = array<i32>} : memref<512xi32, #tpu.memory_space<vmem>>, vector<16xi32>,
    %swap3A_945 = vector.shape_cast %swap3A_944 : vector<16xi32> to vector<16xi32>
    %swap3A_946 = vector.shape_cast %add3A_942 : vector<16xi32> to vector<16xi32>
    tpu.vector_store %arg6[%swap3A_943], %swap3A_946 {strides = array<i32>} : memref<512xi32, #tpu.memory_space<vmem>>, vector<16xi32>,
    %get3A_947 = arith.constant 2 : i32
    %get3A_948 = arith.constant 0 : i32
    %get3A_949 = arith.index_cast %get3A_947 : i32 to index
    %get3A_950 = arith.index_cast %get3A_948 : i32 to index
    %get3A_951 = arith.constant 96 : index
    %get3A_952 = tpu.vector_load %arg5[%get3A_949, %get3A_950, %get3A_951] {strides = array<i32>} : memref<4x2x128xi32, #tpu.memory_space<vmem>>, vector<1x1x16xi32>,
    %get3A_953 = vector.shape_cast %get3A_952 : vector<1x1x16xi32> to vector<16xi32>
    %get3A_954 = arith.constant 2 : i32
    %get3A_955 = arith.constant 1 : i32
    %get3A_956 = arith.index_cast %get3A_954 : i32 to index
    %get3A_957 = arith.index_cast %get3A_955 : i32 to index
    %get3A_958 = arith.constant 96 : index
    %get3A_959 = tpu.vector_load %arg5[%get3A_956, %get3A_957, %get3A_958] {strides = array<i32>} : memref<4x2x128xi32, #tpu.memory_space<vmem>>, vector<1x1x16xi32>,
    %get3A_960 = vector.shape_cast %get3A_959 : vector<1x1x16xi32> to vector<16xi32>
    %shift_right_arithmetic3A_961 = arith.constant 9 : i32
    %shift_right_arithmetic3A_962 = vector.broadcast %shift_right_arithmetic3A_961 : i32 to vector<16xi32>
    %shift_right_arithmetic3A_963 = arith.shrsi %get3A_960, %shift_right_arithmetic3A_962 : vector<16xi32>
    %mul3A_964 = arith.constant 524288 : i32
    %mul3A_965 = vector.broadcast %mul3A_964 : i32 to vector<16xi32>
    %mul3A_966 = arith.muli %shift_right_arithmetic3A_963, %mul3A_965 : vector<16xi32>
    %shift_right_arithmetic3A_967 = arith.constant 7 : i32
    %shift_right_arithmetic3A_968 = vector.broadcast %shift_right_arithmetic3A_967 : i32 to vector<16xi32>
    %shift_right_arithmetic3A_969 = arith.shrsi %get3A_953, %shift_right_arithmetic3A_968 : vector<16xi32>
    %mul3A_970 = arith.constant 65536 : i32
    %mul3A_971 = vector.broadcast %mul3A_970 : i32 to vector<16xi32>
    %mul3A_972 = arith.muli %shift_right_arithmetic3A_969, %mul3A_971 : vector<16xi32>
    %add3A_973 = arith.addi %mul3A_966, %mul3A_972 : vector<16xi32>
    %and3A_974 = arith.constant 511 : i32
    %and3A_975 = vector.broadcast %and3A_974 : i32 to vector<16xi32>
    %and3A_976 = arith.andi %get3A_960, %and3A_975 : vector<16xi32>
    %mul3A_977 = arith.constant 128 : i32
    %mul3A_978 = vector.broadcast %mul3A_977 : i32 to vector<16xi32>
    %mul3A_979 = arith.muli %and3A_976, %mul3A_978 : vector<16xi32>
    %add3A_980 = arith.addi %add3A_973, %mul3A_979 : vector<16xi32>
    %and3A_981 = arith.constant 127 : i32
    %and3A_982 = vector.broadcast %and3A_981 : i32 to vector<16xi32>
    %and3A_983 = arith.andi %get3A_953, %and3A_982 : vector<16xi32>
    %add3A_984 = arith.addi %add3A_980, %and3A_983 : vector<16xi32>
    %swap3A_985 = arith.constant 352 : index
    %swap3A_986 = tpu.vector_load %arg6[%swap3A_985] {strides = array<i32>} : memref<512xi32, #tpu.memory_space<vmem>>, vector<16xi32>,
    %swap3A_987 = vector.shape_cast %swap3A_986 : vector<16xi32> to vector<16xi32>
    %swap3A_988 = vector.shape_cast %add3A_984 : vector<16xi32> to vector<16xi32>
    tpu.vector_store %arg6[%swap3A_985], %swap3A_988 {strides = array<i32>} : memref<512xi32, #tpu.memory_space<vmem>>, vector<16xi32>,
    %get3A_989 = arith.constant 2 : i32
    %get3A_990 = arith.constant 0 : i32
    %get3A_991 = arith.index_cast %get3A_989 : i32 to index
    %get3A_992 = arith.index_cast %get3A_990 : i32 to index
    %get3A_993 = arith.constant 112 : index
    %get3A_994 = tpu.vector_load %arg5[%get3A_991, %get3A_992, %get3A_993] {strides = array<i32>} : memref<4x2x128xi32, #tpu.memory_space<vmem>>, vector<1x1x16xi32>,
    %get3A_995 = vector.shape_cast %get3A_994 : vector<1x1x16xi32> to vector<16xi32>
    %get3A_996 = arith.constant 2 : i32
    %get3A_997 = arith.constant 1 : i32
    %get3A_998 = arith.index_cast %get3A_996 : i32 to index
    %get3A_999 = arith.index_cast %get3A_997 : i32 to index
    %get3A_1000 = arith.constant 112 : index
    %get3A_1001 = tpu.vector_load %arg5[%get3A_998, %get3A_999, %get3A_1000] {strides = array<i32>} : memref<4x2x128xi32, #tpu.memory_space<vmem>>, vector<1x1x16xi32>,
    %get3A_1002 = vector.shape_cast %get3A_1001 : vector<1x1x16xi32> to vector<16xi32>
    %shift_right_arithmetic3A_1003 = arith.constant 9 : i32
    %shift_right_arithmetic3A_1004 = vector.broadcast %shift_right_arithmetic3A_1003 : i32 to vector<16xi32>
    %shift_right_arithmetic3A_1005 = arith.shrsi %get3A_1002, %shift_right_arithmetic3A_1004 : vector<16xi32>
    %mul3A_1006 = arith.constant 524288 : i32
    %mul3A_1007 = vector.broadcast %mul3A_1006 : i32 to vector<16xi32>
    %mul3A_1008 = arith.muli %shift_right_arithmetic3A_1005, %mul3A_1007 : vector<16xi32>
    %shift_right_arithmetic3A_1009 = arith.constant 7 : i32
    %shift_right_arithmetic3A_1010 = vector.broadcast %shift_right_arithmetic3A_1009 : i32 to vector<16xi32>
    %shift_right_arithmetic3A_1011 = arith.shrsi %get3A_995, %shift_right_arithmetic3A_1010 : vector<16xi32>
    %mul3A_1012 = arith.constant 65536 : i32
    %mul3A_1013 = vector.broadcast %mul3A_1012 : i32 to vector<16xi32>
    %mul3A_1014 = arith.muli %shift_right_arithmetic3A_1011, %mul3A_1013 : vector<16xi32>
    %add3A_1015 = arith.addi %mul3A_1008, %mul3A_1014 : vector<16xi32>
    %and3A_1016 = arith.constant 511 : i32
    %and3A_1017 = vector.broadcast %and3A_1016 : i32 to vector<16xi32>
    %and3A_1018 = arith.andi %get3A_1002, %and3A_1017 : vector<16xi32>
    %mul3A_1019 = arith.constant 128 : i32
    %mul3A_1020 = vector.broadcast %mul3A_1019 : i32 to vector<16xi32>
    %mul3A_1021 = arith.muli %and3A_1018, %mul3A_1020 : vector<16xi32>
    %add3A_1022 = arith.addi %add3A_1015, %mul3A_1021 : vector<16xi32>
    %and3A_1023 = arith.constant 127 : i32
    %and3A_1024 = vector.broadcast %and3A_1023 : i32 to vector<16xi32>
    %and3A_1025 = arith.andi %get3A_995, %and3A_1024 : vector<16xi32>
    %add3A_1026 = arith.addi %add3A_1022, %and3A_1025 : vector<16xi32>
    %swap3A_1027 = arith.constant 368 : index
    %swap3A_1028 = tpu.vector_load %arg6[%swap3A_1027] {strides = array<i32>} : memref<512xi32, #tpu.memory_space<vmem>>, vector<16xi32>,
    %swap3A_1029 = vector.shape_cast %swap3A_1028 : vector<16xi32> to vector<16xi32>
    %swap3A_1030 = vector.shape_cast %add3A_1026 : vector<16xi32> to vector<16xi32>
    tpu.vector_store %arg6[%swap3A_1027], %swap3A_1030 {strides = array<i32>} : memref<512xi32, #tpu.memory_space<vmem>>, vector<16xi32>,
    %dma_start3A_1031 = arith.constant 256 : i32
    %dma_start3A_1032 = tpu.memref_slice %arg7[%dma_start3A_1031] : memref<512xf32, #tpu.memory_space<vmem>> -> memref<128xf32, #tpu.memory_space<vmem>>
    %dma_start3A_1033 = arith.constant 256 : i32
    %dma_start3A_1034 = tpu.memref_slice %arg6[%dma_start3A_1033] : memref<512xi32, #tpu.memory_space<vmem>> -> memref<128xi32, #tpu.memory_space<vmem>>
    %dma_start3A_1035 = arith.constant 0 : i32
    %dma_start3A_1036 = tpu.memref_slice %arg3[%dma_start3A_1035] : memref<1048576xf32, #tpu.memory_space<hbm>> -> memref<1048576xf32, #tpu.memory_space<hbm>>
    tpu.enqueue_indirect_dma source(%dma_start3A_1036 : memref<1048576xf32, #tpu.memory_space<hbm>>) target(%dma_start3A_1032 : memref<128xf32, #tpu.memory_space<vmem>>) offsets(%dma_start3A_1034 : memref<128xi32, #tpu.memory_space<vmem>>) semaphore(%arg8 : memref<!tpu.dma_semaphore, #tpu.memory_space<semaphore_mem>>)
    %get3A_1037 = arith.constant 3 : i32
    %get3A_1038 = arith.constant 0 : i32
    %get3A_1039 = arith.index_cast %get3A_1037 : i32 to index
    %get3A_1040 = arith.index_cast %get3A_1038 : i32 to index
    %get3A_1041 = arith.constant 0 : index
    %get3A_1042 = tpu.vector_load %arg5[%get3A_1039, %get3A_1040, %get3A_1041] {strides = array<i32>} : memref<4x2x128xi32, #tpu.memory_space<vmem>>, vector<1x1x16xi32>,
    %get3A_1043 = vector.shape_cast %get3A_1042 : vector<1x1x16xi32> to vector<16xi32>
    %get3A_1044 = arith.constant 3 : i32
    %get3A_1045 = arith.constant 1 : i32
    %get3A_1046 = arith.index_cast %get3A_1044 : i32 to index
    %get3A_1047 = arith.index_cast %get3A_1045 : i32 to index
    %get3A_1048 = arith.constant 0 : index
    %get3A_1049 = tpu.vector_load %arg5[%get3A_1046, %get3A_1047, %get3A_1048] {strides = array<i32>} : memref<4x2x128xi32, #tpu.memory_space<vmem>>, vector<1x1x16xi32>,
    %get3A_1050 = vector.shape_cast %get3A_1049 : vector<1x1x16xi32> to vector<16xi32>
    %shift_right_arithmetic3A_1051 = arith.constant 9 : i32
    %shift_right_arithmetic3A_1052 = vector.broadcast %shift_right_arithmetic3A_1051 : i32 to vector<16xi32>
    %shift_right_arithmetic3A_1053 = arith.shrsi %get3A_1050, %shift_right_arithmetic3A_1052 : vector<16xi32>
    %mul3A_1054 = arith.constant 524288 : i32
    %mul3A_1055 = vector.broadcast %mul3A_1054 : i32 to vector<16xi32>
    %mul3A_1056 = arith.muli %shift_right_arithmetic3A_1053, %mul3A_1055 : vector<16xi32>
    %shift_right_arithmetic3A_1057 = arith.constant 7 : i32
    %shift_right_arithmetic3A_1058 = vector.broadcast %shift_right_arithmetic3A_1057 : i32 to vector<16xi32>
    %shift_right_arithmetic3A_1059 = arith.shrsi %get3A_1043, %shift_right_arithmetic3A_1058 : vector<16xi32>
    %mul3A_1060 = arith.constant 65536 : i32
    %mul3A_1061 = vector.broadcast %mul3A_1060 : i32 to vector<16xi32>
    %mul3A_1062 = arith.muli %shift_right_arithmetic3A_1059, %mul3A_1061 : vector<16xi32>
    %add3A_1063 = arith.addi %mul3A_1056, %mul3A_1062 : vector<16xi32>
    %and3A_1064 = arith.constant 511 : i32
    %and3A_1065 = vector.broadcast %and3A_1064 : i32 to vector<16xi32>
    %and3A_1066 = arith.andi %get3A_1050, %and3A_1065 : vector<16xi32>
    %mul3A_1067 = arith.constant 128 : i32
    %mul3A_1068 = vector.broadcast %mul3A_1067 : i32 to vector<16xi32>
    %mul3A_1069 = arith.muli %and3A_1066, %mul3A_1068 : vector<16xi32>
    %add3A_1070 = arith.addi %add3A_1063, %mul3A_1069 : vector<16xi32>
    %and3A_1071 = arith.constant 127 : i32
    %and3A_1072 = vector.broadcast %and3A_1071 : i32 to vector<16xi32>
    %and3A_1073 = arith.andi %get3A_1043, %and3A_1072 : vector<16xi32>
    %add3A_1074 = arith.addi %add3A_1070, %and3A_1073 : vector<16xi32>
    %swap3A_1075 = arith.constant 384 : index
    %swap3A_1076 = tpu.vector_load %arg6[%swap3A_1075] {strides = array<i32>} : memref<512xi32, #tpu.memory_space<vmem>>, vector<16xi32>,
    %swap3A_1077 = vector.shape_cast %swap3A_1076 : vector<16xi32> to vector<16xi32>
    %swap3A_1078 = vector.shape_cast %add3A_1074 : vector<16xi32> to vector<16xi32>
    tpu.vector_store %arg6[%swap3A_1075], %swap3A_1078 {strides = array<i32>} : memref<512xi32, #tpu.memory_space<vmem>>, vector<16xi32>,
    %get3A_1079 = arith.constant 3 : i32
    %get3A_1080 = arith.constant 0 : i32
    %get3A_1081 = arith.index_cast %get3A_1079 : i32 to index
    %get3A_1082 = arith.index_cast %get3A_1080 : i32 to index
    %get3A_1083 = arith.constant 16 : index
    %get3A_1084 = tpu.vector_load %arg5[%get3A_1081, %get3A_1082, %get3A_1083] {strides = array<i32>} : memref<4x2x128xi32, #tpu.memory_space<vmem>>, vector<1x1x16xi32>,
    %get3A_1085 = vector.shape_cast %get3A_1084 : vector<1x1x16xi32> to vector<16xi32>
    %get3A_1086 = arith.constant 3 : i32
    %get3A_1087 = arith.constant 1 : i32
    %get3A_1088 = arith.index_cast %get3A_1086 : i32 to index
    %get3A_1089 = arith.index_cast %get3A_1087 : i32 to index
    %get3A_1090 = arith.constant 16 : index
    %get3A_1091 = tpu.vector_load %arg5[%get3A_1088, %get3A_1089, %get3A_1090] {strides = array<i32>} : memref<4x2x128xi32, #tpu.memory_space<vmem>>, vector<1x1x16xi32>,
    %get3A_1092 = vector.shape_cast %get3A_1091 : vector<1x1x16xi32> to vector<16xi32>
    %shift_right_arithmetic3A_1093 = arith.constant 9 : i32
    %shift_right_arithmetic3A_1094 = vector.broadcast %shift_right_arithmetic3A_1093 : i32 to vector<16xi32>
    %shift_right_arithmetic3A_1095 = arith.shrsi %get3A_1092, %shift_right_arithmetic3A_1094 : vector<16xi32>
    %mul3A_1096 = arith.constant 524288 : i32
    %mul3A_1097 = vector.broadcast %mul3A_1096 : i32 to vector<16xi32>
    %mul3A_1098 = arith.muli %shift_right_arithmetic3A_1095, %mul3A_1097 : vector<16xi32>
    %shift_right_arithmetic3A_1099 = arith.constant 7 : i32
    %shift_right_arithmetic3A_1100 = vector.broadcast %shift_right_arithmetic3A_1099 : i32 to vector<16xi32>
    %shift_right_arithmetic3A_1101 = arith.shrsi %get3A_1085, %shift_right_arithmetic3A_1100 : vector<16xi32>
    %mul3A_1102 = arith.constant 65536 : i32
    %mul3A_1103 = vector.broadcast %mul3A_1102 : i32 to vector<16xi32>
    %mul3A_1104 = arith.muli %shift_right_arithmetic3A_1101, %mul3A_1103 : vector<16xi32>
    %add3A_1105 = arith.addi %mul3A_1098, %mul3A_1104 : vector<16xi32>
    %and3A_1106 = arith.constant 511 : i32
    %and3A_1107 = vector.broadcast %and3A_1106 : i32 to vector<16xi32>
    %and3A_1108 = arith.andi %get3A_1092, %and3A_1107 : vector<16xi32>
    %mul3A_1109 = arith.constant 128 : i32
    %mul3A_1110 = vector.broadcast %mul3A_1109 : i32 to vector<16xi32>
    %mul3A_1111 = arith.muli %and3A_1108, %mul3A_1110 : vector<16xi32>
    %add3A_1112 = arith.addi %add3A_1105, %mul3A_1111 : vector<16xi32>
    %and3A_1113 = arith.constant 127 : i32
    %and3A_1114 = vector.broadcast %and3A_1113 : i32 to vector<16xi32>
    %and3A_1115 = arith.andi %get3A_1085, %and3A_1114 : vector<16xi32>
    %add3A_1116 = arith.addi %add3A_1112, %and3A_1115 : vector<16xi32>
    %swap3A_1117 = arith.constant 400 : index
    %swap3A_1118 = tpu.vector_load %arg6[%swap3A_1117] {strides = array<i32>} : memref<512xi32, #tpu.memory_space<vmem>>, vector<16xi32>,
    %swap3A_1119 = vector.shape_cast %swap3A_1118 : vector<16xi32> to vector<16xi32>
    %swap3A_1120 = vector.shape_cast %add3A_1116 : vector<16xi32> to vector<16xi32>
    tpu.vector_store %arg6[%swap3A_1117], %swap3A_1120 {strides = array<i32>} : memref<512xi32, #tpu.memory_space<vmem>>, vector<16xi32>,
    %get3A_1121 = arith.constant 3 : i32
    %get3A_1122 = arith.constant 0 : i32
    %get3A_1123 = arith.index_cast %get3A_1121 : i32 to index
    %get3A_1124 = arith.index_cast %get3A_1122 : i32 to index
    %get3A_1125 = arith.constant 32 : index
    %get3A_1126 = tpu.vector_load %arg5[%get3A_1123, %get3A_1124, %get3A_1125] {strides = array<i32>} : memref<4x2x128xi32, #tpu.memory_space<vmem>>, vector<1x1x16xi32>,
    %get3A_1127 = vector.shape_cast %get3A_1126 : vector<1x1x16xi32> to vector<16xi32>
    %get3A_1128 = arith.constant 3 : i32
    %get3A_1129 = arith.constant 1 : i32
    %get3A_1130 = arith.index_cast %get3A_1128 : i32 to index
    %get3A_1131 = arith.index_cast %get3A_1129 : i32 to index
    %get3A_1132 = arith.constant 32 : index
    %get3A_1133 = tpu.vector_load %arg5[%get3A_1130, %get3A_1131, %get3A_1132] {strides = array<i32>} : memref<4x2x128xi32, #tpu.memory_space<vmem>>, vector<1x1x16xi32>,
    %get3A_1134 = vector.shape_cast %get3A_1133 : vector<1x1x16xi32> to vector<16xi32>
    %shift_right_arithmetic3A_1135 = arith.constant 9 : i32
    %shift_right_arithmetic3A_1136 = vector.broadcast %shift_right_arithmetic3A_1135 : i32 to vector<16xi32>
    %shift_right_arithmetic3A_1137 = arith.shrsi %get3A_1134, %shift_right_arithmetic3A_1136 : vector<16xi32>
    %mul3A_1138 = arith.constant 524288 : i32
    %mul3A_1139 = vector.broadcast %mul3A_1138 : i32 to vector<16xi32>
    %mul3A_1140 = arith.muli %shift_right_arithmetic3A_1137, %mul3A_1139 : vector<16xi32>
    %shift_right_arithmetic3A_1141 = arith.constant 7 : i32
    %shift_right_arithmetic3A_1142 = vector.broadcast %shift_right_arithmetic3A_1141 : i32 to vector<16xi32>
    %shift_right_arithmetic3A_1143 = arith.shrsi %get3A_1127, %shift_right_arithmetic3A_1142 : vector<16xi32>
    %mul3A_1144 = arith.constant 65536 : i32
    %mul3A_1145 = vector.broadcast %mul3A_1144 : i32 to vector<16xi32>
    %mul3A_1146 = arith.muli %shift_right_arithmetic3A_1143, %mul3A_1145 : vector<16xi32>
    %add3A_1147 = arith.addi %mul3A_1140, %mul3A_1146 : vector<16xi32>
    %and3A_1148 = arith.constant 511 : i32
    %and3A_1149 = vector.broadcast %and3A_1148 : i32 to vector<16xi32>
    %and3A_1150 = arith.andi %get3A_1134, %and3A_1149 : vector<16xi32>
    %mul3A_1151 = arith.constant 128 : i32
    %mul3A_1152 = vector.broadcast %mul3A_1151 : i32 to vector<16xi32>
    %mul3A_1153 = arith.muli %and3A_1150, %mul3A_1152 : vector<16xi32>
    %add3A_1154 = arith.addi %add3A_1147, %mul3A_1153 : vector<16xi32>
    %and3A_1155 = arith.constant 127 : i32
    %and3A_1156 = vector.broadcast %and3A_1155 : i32 to vector<16xi32>
    %and3A_1157 = arith.andi %get3A_1127, %and3A_1156 : vector<16xi32>
    %add3A_1158 = arith.addi %add3A_1154, %and3A_1157 : vector<16xi32>
    %swap3A_1159 = arith.constant 416 : index
    %swap3A_1160 = tpu.vector_load %arg6[%swap3A_1159] {strides = array<i32>} : memref<512xi32, #tpu.memory_space<vmem>>, vector<16xi32>,
    %swap3A_1161 = vector.shape_cast %swap3A_1160 : vector<16xi32> to vector<16xi32>
    %swap3A_1162 = vector.shape_cast %add3A_1158 : vector<16xi32> to vector<16xi32>
    tpu.vector_store %arg6[%swap3A_1159], %swap3A_1162 {strides = array<i32>} : memref<512xi32, #tpu.memory_space<vmem>>, vector<16xi32>,
    %get3A_1163 = arith.constant 3 : i32
    %get3A_1164 = arith.constant 0 : i32
    %get3A_1165 = arith.index_cast %get3A_1163 : i32 to index
    %get3A_1166 = arith.index_cast %get3A_1164 : i32 to index
    %get3A_1167 = arith.constant 48 : index
    %get3A_1168 = tpu.vector_load %arg5[%get3A_1165, %get3A_1166, %get3A_1167] {strides = array<i32>} : memref<4x2x128xi32, #tpu.memory_space<vmem>>, vector<1x1x16xi32>,
    %get3A_1169 = vector.shape_cast %get3A_1168 : vector<1x1x16xi32> to vector<16xi32>
    %get3A_1170 = arith.constant 3 : i32
    %get3A_1171 = arith.constant 1 : i32
    %get3A_1172 = arith.index_cast %get3A_1170 : i32 to index
    %get3A_1173 = arith.index_cast %get3A_1171 : i32 to index
    %get3A_1174 = arith.constant 48 : index
    %get3A_1175 = tpu.vector_load %arg5[%get3A_1172, %get3A_1173, %get3A_1174] {strides = array<i32>} : memref<4x2x128xi32, #tpu.memory_space<vmem>>, vector<1x1x16xi32>,
    %get3A_1176 = vector.shape_cast %get3A_1175 : vector<1x1x16xi32> to vector<16xi32>
    %shift_right_arithmetic3A_1177 = arith.constant 9 : i32
    %shift_right_arithmetic3A_1178 = vector.broadcast %shift_right_arithmetic3A_1177 : i32 to vector<16xi32>
    %shift_right_arithmetic3A_1179 = arith.shrsi %get3A_1176, %shift_right_arithmetic3A_1178 : vector<16xi32>
    %mul3A_1180 = arith.constant 524288 : i32
    %mul3A_1181 = vector.broadcast %mul3A_1180 : i32 to vector<16xi32>
    %mul3A_1182 = arith.muli %shift_right_arithmetic3A_1179, %mul3A_1181 : vector<16xi32>
    %shift_right_arithmetic3A_1183 = arith.constant 7 : i32
    %shift_right_arithmetic3A_1184 = vector.broadcast %shift_right_arithmetic3A_1183 : i32 to vector<16xi32>
    %shift_right_arithmetic3A_1185 = arith.shrsi %get3A_1169, %shift_right_arithmetic3A_1184 : vector<16xi32>
    %mul3A_1186 = arith.constant 65536 : i32
    %mul3A_1187 = vector.broadcast %mul3A_1186 : i32 to vector<16xi32>
    %mul3A_1188 = arith.muli %shift_right_arithmetic3A_1185, %mul3A_1187 : vector<16xi32>
    %add3A_1189 = arith.addi %mul3A_1182, %mul3A_1188 : vector<16xi32>
    %and3A_1190 = arith.constant 511 : i32
    %and3A_1191 = vector.broadcast %and3A_1190 : i32 to vector<16xi32>
    %and3A_1192 = arith.andi %get3A_1176, %and3A_1191 : vector<16xi32>
    %mul3A_1193 = arith.constant 128 : i32
    %mul3A_1194 = vector.broadcast %mul3A_1193 : i32 to vector<16xi32>
    %mul3A_1195 = arith.muli %and3A_1192, %mul3A_1194 : vector<16xi32>
    %add3A_1196 = arith.addi %add3A_1189, %mul3A_1195 : vector<16xi32>
    %and3A_1197 = arith.constant 127 : i32
    %and3A_1198 = vector.broadcast %and3A_1197 : i32 to vector<16xi32>
    %and3A_1199 = arith.andi %get3A_1169, %and3A_1198 : vector<16xi32>
    %add3A_1200 = arith.addi %add3A_1196, %and3A_1199 : vector<16xi32>
    %swap3A_1201 = arith.constant 432 : index
    %swap3A_1202 = tpu.vector_load %arg6[%swap3A_1201] {strides = array<i32>} : memref<512xi32, #tpu.memory_space<vmem>>, vector<16xi32>,
    %swap3A_1203 = vector.shape_cast %swap3A_1202 : vector<16xi32> to vector<16xi32>
    %swap3A_1204 = vector.shape_cast %add3A_1200 : vector<16xi32> to vector<16xi32>
    tpu.vector_store %arg6[%swap3A_1201], %swap3A_1204 {strides = array<i32>} : memref<512xi32, #tpu.memory_space<vmem>>, vector<16xi32>,
    %get3A_1205 = arith.constant 3 : i32
    %get3A_1206 = arith.constant 0 : i32
    %get3A_1207 = arith.index_cast %get3A_1205 : i32 to index
    %get3A_1208 = arith.index_cast %get3A_1206 : i32 to index
    %get3A_1209 = arith.constant 64 : index
    %get3A_1210 = tpu.vector_load %arg5[%get3A_1207, %get3A_1208, %get3A_1209] {strides = array<i32>} : memref<4x2x128xi32, #tpu.memory_space<vmem>>, vector<1x1x16xi32>,
    %get3A_1211 = vector.shape_cast %get3A_1210 : vector<1x1x16xi32> to vector<16xi32>
    %get3A_1212 = arith.constant 3 : i32
    %get3A_1213 = arith.constant 1 : i32
    %get3A_1214 = arith.index_cast %get3A_1212 : i32 to index
    %get3A_1215 = arith.index_cast %get3A_1213 : i32 to index
    %get3A_1216 = arith.constant 64 : index
    %get3A_1217 = tpu.vector_load %arg5[%get3A_1214, %get3A_1215, %get3A_1216] {strides = array<i32>} : memref<4x2x128xi32, #tpu.memory_space<vmem>>, vector<1x1x16xi32>,
    %get3A_1218 = vector.shape_cast %get3A_1217 : vector<1x1x16xi32> to vector<16xi32>
    %shift_right_arithmetic3A_1219 = arith.constant 9 : i32
    %shift_right_arithmetic3A_1220 = vector.broadcast %shift_right_arithmetic3A_1219 : i32 to vector<16xi32>
    %shift_right_arithmetic3A_1221 = arith.shrsi %get3A_1218, %shift_right_arithmetic3A_1220 : vector<16xi32>
    %mul3A_1222 = arith.constant 524288 : i32
    %mul3A_1223 = vector.broadcast %mul3A_1222 : i32 to vector<16xi32>
    %mul3A_1224 = arith.muli %shift_right_arithmetic3A_1221, %mul3A_1223 : vector<16xi32>
    %shift_right_arithmetic3A_1225 = arith.constant 7 : i32
    %shift_right_arithmetic3A_1226 = vector.broadcast %shift_right_arithmetic3A_1225 : i32 to vector<16xi32>
    %shift_right_arithmetic3A_1227 = arith.shrsi %get3A_1211, %shift_right_arithmetic3A_1226 : vector<16xi32>
    %mul3A_1228 = arith.constant 65536 : i32
    %mul3A_1229 = vector.broadcast %mul3A_1228 : i32 to vector<16xi32>
    %mul3A_1230 = arith.muli %shift_right_arithmetic3A_1227, %mul3A_1229 : vector<16xi32>
    %add3A_1231 = arith.addi %mul3A_1224, %mul3A_1230 : vector<16xi32>
    %and3A_1232 = arith.constant 511 : i32
    %and3A_1233 = vector.broadcast %and3A_1232 : i32 to vector<16xi32>
    %and3A_1234 = arith.andi %get3A_1218, %and3A_1233 : vector<16xi32>
    %mul3A_1235 = arith.constant 128 : i32
    %mul3A_1236 = vector.broadcast %mul3A_1235 : i32 to vector<16xi32>
    %mul3A_1237 = arith.muli %and3A_1234, %mul3A_1236 : vector<16xi32>
    %add3A_1238 = arith.addi %add3A_1231, %mul3A_1237 : vector<16xi32>
    %and3A_1239 = arith.constant 127 : i32
    %and3A_1240 = vector.broadcast %and3A_1239 : i32 to vector<16xi32>
    %and3A_1241 = arith.andi %get3A_1211, %and3A_1240 : vector<16xi32>
    %add3A_1242 = arith.addi %add3A_1238, %and3A_1241 : vector<16xi32>
    %swap3A_1243 = arith.constant 448 : index
    %swap3A_1244 = tpu.vector_load %arg6[%swap3A_1243] {strides = array<i32>} : memref<512xi32, #tpu.memory_space<vmem>>, vector<16xi32>,
    %swap3A_1245 = vector.shape_cast %swap3A_1244 : vector<16xi32> to vector<16xi32>
    %swap3A_1246 = vector.shape_cast %add3A_1242 : vector<16xi32> to vector<16xi32>
    tpu.vector_store %arg6[%swap3A_1243], %swap3A_1246 {strides = array<i32>} : memref<512xi32, #tpu.memory_space<vmem>>, vector<16xi32>,
    %get3A_1247 = arith.constant 3 : i32
    %get3A_1248 = arith.constant 0 : i32
    %get3A_1249 = arith.index_cast %get3A_1247 : i32 to index
    %get3A_1250 = arith.index_cast %get3A_1248 : i32 to index
    %get3A_1251 = arith.constant 80 : index
    %get3A_1252 = tpu.vector_load %arg5[%get3A_1249, %get3A_1250, %get3A_1251] {strides = array<i32>} : memref<4x2x128xi32, #tpu.memory_space<vmem>>, vector<1x1x16xi32>,
    %get3A_1253 = vector.shape_cast %get3A_1252 : vector<1x1x16xi32> to vector<16xi32>
    %get3A_1254 = arith.constant 3 : i32
    %get3A_1255 = arith.constant 1 : i32
    %get3A_1256 = arith.index_cast %get3A_1254 : i32 to index
    %get3A_1257 = arith.index_cast %get3A_1255 : i32 to index
    %get3A_1258 = arith.constant 80 : index
    %get3A_1259 = tpu.vector_load %arg5[%get3A_1256, %get3A_1257, %get3A_1258] {strides = array<i32>} : memref<4x2x128xi32, #tpu.memory_space<vmem>>, vector<1x1x16xi32>,
    %get3A_1260 = vector.shape_cast %get3A_1259 : vector<1x1x16xi32> to vector<16xi32>
    %shift_right_arithmetic3A_1261 = arith.constant 9 : i32
    %shift_right_arithmetic3A_1262 = vector.broadcast %shift_right_arithmetic3A_1261 : i32 to vector<16xi32>
    %shift_right_arithmetic3A_1263 = arith.shrsi %get3A_1260, %shift_right_arithmetic3A_1262 : vector<16xi32>
    %mul3A_1264 = arith.constant 524288 : i32
    %mul3A_1265 = vector.broadcast %mul3A_1264 : i32 to vector<16xi32>
    %mul3A_1266 = arith.muli %shift_right_arithmetic3A_1263, %mul3A_1265 : vector<16xi32>
    %shift_right_arithmetic3A_1267 = arith.constant 7 : i32
    %shift_right_arithmetic3A_1268 = vector.broadcast %shift_right_arithmetic3A_1267 : i32 to vector<16xi32>
    %shift_right_arithmetic3A_1269 = arith.shrsi %get3A_1253, %shift_right_arithmetic3A_1268 : vector<16xi32>
    %mul3A_1270 = arith.constant 65536 : i32
    %mul3A_1271 = vector.broadcast %mul3A_1270 : i32 to vector<16xi32>
    %mul3A_1272 = arith.muli %shift_right_arithmetic3A_1269, %mul3A_1271 : vector<16xi32>
    %add3A_1273 = arith.addi %mul3A_1266, %mul3A_1272 : vector<16xi32>
    %and3A_1274 = arith.constant 511 : i32
    %and3A_1275 = vector.broadcast %and3A_1274 : i32 to vector<16xi32>
    %and3A_1276 = arith.andi %get3A_1260, %and3A_1275 : vector<16xi32>
    %mul3A_1277 = arith.constant 128 : i32
    %mul3A_1278 = vector.broadcast %mul3A_1277 : i32 to vector<16xi32>
    %mul3A_1279 = arith.muli %and3A_1276, %mul3A_1278 : vector<16xi32>
    %add3A_1280 = arith.addi %add3A_1273, %mul3A_1279 : vector<16xi32>
    %and3A_1281 = arith.constant 127 : i32
    %and3A_1282 = vector.broadcast %and3A_1281 : i32 to vector<16xi32>
    %and3A_1283 = arith.andi %get3A_1253, %and3A_1282 : vector<16xi32>
    %add3A_1284 = arith.addi %add3A_1280, %and3A_1283 : vector<16xi32>
    %swap3A_1285 = arith.constant 464 : index
    %swap3A_1286 = tpu.vector_load %arg6[%swap3A_1285] {strides = array<i32>} : memref<512xi32, #tpu.memory_space<vmem>>, vector<16xi32>,
    %swap3A_1287 = vector.shape_cast %swap3A_1286 : vector<16xi32> to vector<16xi32>
    %swap3A_1288 = vector.shape_cast %add3A_1284 : vector<16xi32> to vector<16xi32>
    tpu.vector_store %arg6[%swap3A_1285], %swap3A_1288 {strides = array<i32>} : memref<512xi32, #tpu.memory_space<vmem>>, vector<16xi32>,
    %get3A_1289 = arith.constant 3 : i32
    %get3A_1290 = arith.constant 0 : i32
    %get3A_1291 = arith.index_cast %get3A_1289 : i32 to index
    %get3A_1292 = arith.index_cast %get3A_1290 : i32 to index
    %get3A_1293 = arith.constant 96 : index
    %get3A_1294 = tpu.vector_load %arg5[%get3A_1291, %get3A_1292, %get3A_1293] {strides = array<i32>} : memref<4x2x128xi32, #tpu.memory_space<vmem>>, vector<1x1x16xi32>,
    %get3A_1295 = vector.shape_cast %get3A_1294 : vector<1x1x16xi32> to vector<16xi32>
    %get3A_1296 = arith.constant 3 : i32
    %get3A_1297 = arith.constant 1 : i32
    %get3A_1298 = arith.index_cast %get3A_1296 : i32 to index
    %get3A_1299 = arith.index_cast %get3A_1297 : i32 to index
    %get3A_1300 = arith.constant 96 : index
    %get3A_1301 = tpu.vector_load %arg5[%get3A_1298, %get3A_1299, %get3A_1300] {strides = array<i32>} : memref<4x2x128xi32, #tpu.memory_space<vmem>>, vector<1x1x16xi32>,
    %get3A_1302 = vector.shape_cast %get3A_1301 : vector<1x1x16xi32> to vector<16xi32>
    %shift_right_arithmetic3A_1303 = arith.constant 9 : i32
    %shift_right_arithmetic3A_1304 = vector.broadcast %shift_right_arithmetic3A_1303 : i32 to vector<16xi32>
    %shift_right_arithmetic3A_1305 = arith.shrsi %get3A_1302, %shift_right_arithmetic3A_1304 : vector<16xi32>
    %mul3A_1306 = arith.constant 524288 : i32
    %mul3A_1307 = vector.broadcast %mul3A_1306 : i32 to vector<16xi32>
    %mul3A_1308 = arith.muli %shift_right_arithmetic3A_1305, %mul3A_1307 : vector<16xi32>
    %shift_right_arithmetic3A_1309 = arith.constant 7 : i32
    %shift_right_arithmetic3A_1310 = vector.broadcast %shift_right_arithmetic3A_1309 : i32 to vector<16xi32>
    %shift_right_arithmetic3A_1311 = arith.shrsi %get3A_1295, %shift_right_arithmetic3A_1310 : vector<16xi32>
    %mul3A_1312 = arith.constant 65536 : i32
    %mul3A_1313 = vector.broadcast %mul3A_1312 : i32 to vector<16xi32>
    %mul3A_1314 = arith.muli %shift_right_arithmetic3A_1311, %mul3A_1313 : vector<16xi32>
    %add3A_1315 = arith.addi %mul3A_1308, %mul3A_1314 : vector<16xi32>
    %and3A_1316 = arith.constant 511 : i32
    %and3A_1317 = vector.broadcast %and3A_1316 : i32 to vector<16xi32>
    %and3A_1318 = arith.andi %get3A_1302, %and3A_1317 : vector<16xi32>
    %mul3A_1319 = arith.constant 128 : i32
    %mul3A_1320 = vector.broadcast %mul3A_1319 : i32 to vector<16xi32>
    %mul3A_1321 = arith.muli %and3A_1318, %mul3A_1320 : vector<16xi32>
    %add3A_1322 = arith.addi %add3A_1315, %mul3A_1321 : vector<16xi32>
    %and3A_1323 = arith.constant 127 : i32
    %and3A_1324 = vector.broadcast %and3A_1323 : i32 to vector<16xi32>
    %and3A_1325 = arith.andi %get3A_1295, %and3A_1324 : vector<16xi32>
    %add3A_1326 = arith.addi %add3A_1322, %and3A_1325 : vector<16xi32>
    %swap3A_1327 = arith.constant 480 : index
    %swap3A_1328 = tpu.vector_load %arg6[%swap3A_1327] {strides = array<i32>} : memref<512xi32, #tpu.memory_space<vmem>>, vector<16xi32>,
    %swap3A_1329 = vector.shape_cast %swap3A_1328 : vector<16xi32> to vector<16xi32>
    %swap3A_1330 = vector.shape_cast %add3A_1326 : vector<16xi32> to vector<16xi32>
    tpu.vector_store %arg6[%swap3A_1327], %swap3A_1330 {strides = array<i32>} : memref<512xi32, #tpu.memory_space<vmem>>, vector<16xi32>,
    %get3A_1331 = arith.constant 3 : i32
    %get3A_1332 = arith.constant 0 : i32
    %get3A_1333 = arith.index_cast %get3A_1331 : i32 to index
    %get3A_1334 = arith.index_cast %get3A_1332 : i32 to index
    %get3A_1335 = arith.constant 112 : index
    %get3A_1336 = tpu.vector_load %arg5[%get3A_1333, %get3A_1334, %get3A_1335] {strides = array<i32>} : memref<4x2x128xi32, #tpu.memory_space<vmem>>, vector<1x1x16xi32>,
    %get3A_1337 = vector.shape_cast %get3A_1336 : vector<1x1x16xi32> to vector<16xi32>
    %get3A_1338 = arith.constant 3 : i32
    %get3A_1339 = arith.constant 1 : i32
    %get3A_1340 = arith.index_cast %get3A_1338 : i32 to index
    %get3A_1341 = arith.index_cast %get3A_1339 : i32 to index
    %get3A_1342 = arith.constant 112 : index
    %get3A_1343 = tpu.vector_load %arg5[%get3A_1340, %get3A_1341, %get3A_1342] {strides = array<i32>} : memref<4x2x128xi32, #tpu.memory_space<vmem>>, vector<1x1x16xi32>,
    %get3A_1344 = vector.shape_cast %get3A_1343 : vector<1x1x16xi32> to vector<16xi32>
    %shift_right_arithmetic3A_1345 = arith.constant 9 : i32
    %shift_right_arithmetic3A_1346 = vector.broadcast %shift_right_arithmetic3A_1345 : i32 to vector<16xi32>
    %shift_right_arithmetic3A_1347 = arith.shrsi %get3A_1344, %shift_right_arithmetic3A_1346 : vector<16xi32>
    %mul3A_1348 = arith.constant 524288 : i32
    %mul3A_1349 = vector.broadcast %mul3A_1348 : i32 to vector<16xi32>
    %mul3A_1350 = arith.muli %shift_right_arithmetic3A_1347, %mul3A_1349 : vector<16xi32>
    %shift_right_arithmetic3A_1351 = arith.constant 7 : i32
    %shift_right_arithmetic3A_1352 = vector.broadcast %shift_right_arithmetic3A_1351 : i32 to vector<16xi32>
    %shift_right_arithmetic3A_1353 = arith.shrsi %get3A_1337, %shift_right_arithmetic3A_1352 : vector<16xi32>
    %mul3A_1354 = arith.constant 65536 : i32
    %mul3A_1355 = vector.broadcast %mul3A_1354 : i32 to vector<16xi32>
    %mul3A_1356 = arith.muli %shift_right_arithmetic3A_1353, %mul3A_1355 : vector<16xi32>
    %add3A_1357 = arith.addi %mul3A_1350, %mul3A_1356 : vector<16xi32>
    %and3A_1358 = arith.constant 511 : i32
    %and3A_1359 = vector.broadcast %and3A_1358 : i32 to vector<16xi32>
    %and3A_1360 = arith.andi %get3A_1344, %and3A_1359 : vector<16xi32>
    %mul3A_1361 = arith.constant 128 : i32
    %mul3A_1362 = vector.broadcast %mul3A_1361 : i32 to vector<16xi32>
    %mul3A_1363 = arith.muli %and3A_1360, %mul3A_1362 : vector<16xi32>
    %add3A_1364 = arith.addi %add3A_1357, %mul3A_1363 : vector<16xi32>
    %and3A_1365 = arith.constant 127 : i32
    %and3A_1366 = vector.broadcast %and3A_1365 : i32 to vector<16xi32>
    %and3A_1367 = arith.andi %get3A_1337, %and3A_1366 : vector<16xi32>
    %add3A_1368 = arith.addi %add3A_1364, %and3A_1367 : vector<16xi32>
    %swap3A_1369 = arith.constant 496 : index
    %swap3A_1370 = tpu.vector_load %arg6[%swap3A_1369] {strides = array<i32>} : memref<512xi32, #tpu.memory_space<vmem>>, vector<16xi32>,
    %swap3A_1371 = vector.shape_cast %swap3A_1370 : vector<16xi32> to vector<16xi32>
    %swap3A_1372 = vector.shape_cast %add3A_1368 : vector<16xi32> to vector<16xi32>
    tpu.vector_store %arg6[%swap3A_1369], %swap3A_1372 {strides = array<i32>} : memref<512xi32, #tpu.memory_space<vmem>>, vector<16xi32>,
    %dma_start3A_1373 = arith.constant 384 : i32
    %dma_start3A_1374 = tpu.memref_slice %arg7[%dma_start3A_1373] : memref<512xf32, #tpu.memory_space<vmem>> -> memref<128xf32, #tpu.memory_space<vmem>>
    %dma_start3A_1375 = arith.constant 384 : i32
    %dma_start3A_1376 = tpu.memref_slice %arg6[%dma_start3A_1375] : memref<512xi32, #tpu.memory_space<vmem>> -> memref<128xi32, #tpu.memory_space<vmem>>
    %dma_start3A_1377 = arith.constant 0 : i32
    %dma_start3A_1378 = tpu.memref_slice %arg3[%dma_start3A_1377] : memref<1048576xf32, #tpu.memory_space<hbm>> -> memref<1048576xf32, #tpu.memory_space<hbm>>
    tpu.enqueue_indirect_dma source(%dma_start3A_1378 : memref<1048576xf32, #tpu.memory_space<hbm>>) target(%dma_start3A_1374 : memref<128xf32, #tpu.memory_space<vmem>>) offsets(%dma_start3A_1376 : memref<128xi32, #tpu.memory_space<vmem>>) semaphore(%arg8 : memref<!tpu.dma_semaphore, #tpu.memory_space<semaphore_mem>>)
    %dma_wait3A_1379 = arith.constant 0 : i32
    %dma_wait3A_1380 = tpu.memref_slice %arg7[%dma_wait3A_1379] : memref<512xf32, #tpu.memory_space<vmem>> -> memref<128xf32, #tpu.memory_space<vmem>>
    %dma_wait3A_1381 = arith.constant 0 : i32
    %dma_wait3A_1382 = tpu.memref_slice %arg6[%dma_wait3A_1381] : memref<512xi32, #tpu.memory_space<vmem>> -> memref<128xi32, #tpu.memory_space<vmem>>
    %dma_wait3A_1383 = arith.constant 0 : i32
    %dma_wait3A_1384 = tpu.memref_slice %arg3[%dma_wait3A_1383] : memref<1048576xf32, #tpu.memory_space<hbm>> -> memref<1048576xf32, #tpu.memory_space<hbm>>
    tpu.wait_indirect_dma semaphore(%arg8 : memref<!tpu.dma_semaphore, #tpu.memory_space<semaphore_mem>>) src(%dma_wait3A_1384 : memref<1048576xf32, #tpu.memory_space<hbm>>) dst(%dma_wait3A_1380 : memref<128xf32, #tpu.memory_space<vmem>>)
    %dma_wait3A_1385 = arith.constant 128 : i32
    %dma_wait3A_1386 = tpu.memref_slice %arg7[%dma_wait3A_1385] : memref<512xf32, #tpu.memory_space<vmem>> -> memref<128xf32, #tpu.memory_space<vmem>>
    %dma_wait3A_1387 = arith.constant 128 : i32
    %dma_wait3A_1388 = tpu.memref_slice %arg6[%dma_wait3A_1387] : memref<512xi32, #tpu.memory_space<vmem>> -> memref<128xi32, #tpu.memory_space<vmem>>
    %dma_wait3A_1389 = arith.constant 0 : i32
    %dma_wait3A_1390 = tpu.memref_slice %arg3[%dma_wait3A_1389] : memref<1048576xf32, #tpu.memory_space<hbm>> -> memref<1048576xf32, #tpu.memory_space<hbm>>
    tpu.wait_indirect_dma semaphore(%arg8 : memref<!tpu.dma_semaphore, #tpu.memory_space<semaphore_mem>>) src(%dma_wait3A_1390 : memref<1048576xf32, #tpu.memory_space<hbm>>) dst(%dma_wait3A_1386 : memref<128xf32, #tpu.memory_space<vmem>>)
    %dma_wait3A_1391 = arith.constant 256 : i32
    %dma_wait3A_1392 = tpu.memref_slice %arg7[%dma_wait3A_1391] : memref<512xf32, #tpu.memory_space<vmem>> -> memref<128xf32, #tpu.memory_space<vmem>>
    %dma_wait3A_1393 = arith.constant 256 : i32
    %dma_wait3A_1394 = tpu.memref_slice %arg6[%dma_wait3A_1393] : memref<512xi32, #tpu.memory_space<vmem>> -> memref<128xi32, #tpu.memory_space<vmem>>
    %dma_wait3A_1395 = arith.constant 0 : i32
    %dma_wait3A_1396 = tpu.memref_slice %arg3[%dma_wait3A_1395] : memref<1048576xf32, #tpu.memory_space<hbm>> -> memref<1048576xf32, #tpu.memory_space<hbm>>
    tpu.wait_indirect_dma semaphore(%arg8 : memref<!tpu.dma_semaphore, #tpu.memory_space<semaphore_mem>>) src(%dma_wait3A_1396 : memref<1048576xf32, #tpu.memory_space<hbm>>) dst(%dma_wait3A_1392 : memref<128xf32, #tpu.memory_space<vmem>>)
    %dma_wait3A_1397 = arith.constant 384 : i32
    %dma_wait3A_1398 = tpu.memref_slice %arg7[%dma_wait3A_1397] : memref<512xf32, #tpu.memory_space<vmem>> -> memref<128xf32, #tpu.memory_space<vmem>>
    %dma_wait3A_1399 = arith.constant 384 : i32
    %dma_wait3A_1400 = tpu.memref_slice %arg6[%dma_wait3A_1399] : memref<512xi32, #tpu.memory_space<vmem>> -> memref<128xi32, #tpu.memory_space<vmem>>
    %dma_wait3A_1401 = arith.constant 0 : i32
    %dma_wait3A_1402 = tpu.memref_slice %arg3[%dma_wait3A_1401] : memref<1048576xf32, #tpu.memory_space<hbm>> -> memref<1048576xf32, #tpu.memory_space<hbm>>
    tpu.wait_indirect_dma semaphore(%arg8 : memref<!tpu.dma_semaphore, #tpu.memory_space<semaphore_mem>>) src(%dma_wait3A_1402 : memref<1048576xf32, #tpu.memory_space<hbm>>) dst(%dma_wait3A_1398 : memref<128xf32, #tpu.memory_space<vmem>>)
    "tpu.region"() ({
      %run_scoped3A = tpu.sem_alloc : memref<!tpu.dma_semaphore, #tpu.memory_space<semaphore_mem>>
      %dma_start3A_1403 = tpu.memref_slice %arg4[%mul3A_2] : memref<16384xf32, #tpu.memory_space<hbm>> -> memref<512xf32, #tpu.memory_space<hbm>>
      %dma_start3A_1404 = tpu.memref_slice %arg4[%mul3A_2] : memref<16384xf32, #tpu.memory_space<hbm>> -> memref<512xf32, #tpu.memory_space<hbm>>
      tpu.enqueue_dma source(%arg7 : memref<512xf32, #tpu.memory_space<vmem>>) target(%dma_start3A_1404 : memref<512xf32, #tpu.memory_space<hbm>>) target_semaphore(%run_scoped3A : memref<!tpu.dma_semaphore, #tpu.memory_space<semaphore_mem>>)
      %dma_wait3A_1405 = tpu.memref_slice %arg4[%mul3A_2] : memref<16384xf32, #tpu.memory_space<hbm>> -> memref<512xf32, #tpu.memory_space<hbm>>
      %dma_wait3A_1406 = tpu.memref_slice %arg4[%mul3A_2] : memref<16384xf32, #tpu.memory_space<hbm>> -> memref<512xf32, #tpu.memory_space<hbm>>
      tpu.wait_dma2 semaphore(%run_scoped3A : memref<!tpu.dma_semaphore, #tpu.memory_space<semaphore_mem>>) src(%arg7 : memref<512xf32, #tpu.memory_space<vmem>>) dst(%dma_wait3A_1406 : memref<512xf32, #tpu.memory_space<hbm>>)
      tpu.yield
    }) : () -> ()
    return
  }
}

module attributes {stable_mosaic.version = 14 : i64} {
  func.func @_tab_body(%arg0: i32, %arg1: memref<512x1024xf32, #tpu.memory_space<vmem>>, %arg2: memref<1024xf32, #tpu.memory_space<vmem>>, %arg3: memref<4096x128xf32, #tpu.memory_space<vmem>>) attributes {dimension_semantics = [#tpu.dimension_semantics<arbitrary>], iteration_bounds = array<i64: 2>, scalar_prefetch = 0 : i64, scratch_operands = 0 : i64, tpu.core_type = #tpu.core_type<tc>, window_params = [{transform_indices = @transform_0, window_bounds = array<i64: 512, 1024>}, {transform_indices = @transform_1, window_bounds = array<i64: 1024>}, {transform_indices = @transform_2, window_bounds = array<i64: 4096, 128>}]} {
    %get3A = arith.constant 0 : index
    %get3A_0 = arith.constant 0 : index
    %get3A_1 = vector.load %arg1[%get3A, %get3A_0] : memref<512x1024xf32, #tpu.memory_space<vmem>>, vector<512x1024xf32>
    %iota3A = tpu.iota {dimensions = array<i32: 1>} : vector<512x1024xi32>
    %lt3A = arith.constant 1000 : i32
    %lt3A_2 = vector.broadcast %lt3A : i32 to vector<512x1024xi32>
    %lt3A_3 = arith.cmpi slt, %iota3A, %lt3A_2 : vector<512x1024xi32>
    %jit3A = arith.constant 0xFF800000 : f32
    %broadcast_in_dim3A = vector.broadcast %jit3A : f32 to vector<512x1024xf32>
    %select_n3A = arith.select %lt3A_3, %get3A_1, %broadcast_in_dim3A : vector<512x1024xi1>, vector<512x1024xf32>
    %reduce_max3A = arith.constant dense<0xFF800000> : vector<512xf32>
    %reduce_max3A_4 = vector.multi_reduction <maximumf>, %select_n3A, %reduce_max3A [1] : vector<512x1024xf32> to vector<512xf32>
    %broadcast_in_dim3A_5 = vector.shape_cast %reduce_max3A_4 : vector<512xf32> to vector<512x1xf32>
    %sub3A = vector.broadcast %broadcast_in_dim3A_5 : vector<512x1xf32> to vector<512x1024xf32>
    %sub3A_6 = arith.subf %select_n3A, %sub3A : vector<512x1024xf32>
    %exp3A = math.exp %sub3A_6 : vector<512x1024xf32>
    %reduce_sum3A = arith.constant dense<0.000000e+00> : vector<512xf32>
    %reduce_sum3A_7 = vector.multi_reduction <add>, %exp3A, %reduce_sum3A [1] : vector<512x1024xf32> to vector<512xf32>
    %broadcast_in_dim3A_8 = vector.shape_cast %reduce_sum3A_7 : vector<512xf32> to vector<512x1xf32>
    %log3A = math.log %broadcast_in_dim3A_8 : vector<512x1xf32>
    %add3A = arith.addf %log3A, %broadcast_in_dim3A_5 : vector<512x1xf32>
    %get3A_9 = arith.constant 0 : index
    %get3A_10 = vector.load %arg2[%get3A_9] : memref<1024xf32, #tpu.memory_space<vmem>>, vector<1024xf32>
    %iota3A_11 = tpu.iota {dimensions = array<i32: 1>} : vector<1x1024xi32>
    %iota3A_12 = vector.shape_cast %iota3A_11 : vector<1x1024xi32> to vector<1024xi32>
    %lt3A_13 = arith.constant 1000 : i32
    %lt3A_14 = vector.broadcast %lt3A_13 : i32 to vector<1024xi32>
    %lt3A_15 = arith.cmpi slt, %iota3A_12, %lt3A_14 : vector<1024xi32>
    %jit3A_16 = arith.constant 0xFF800000 : f32
    %broadcast_in_dim3A_17 = vector.broadcast %jit3A_16 : f32 to vector<1024xf32>
    %select_n3A_18 = arith.select %lt3A_15, %get3A_10, %broadcast_in_dim3A_17 : vector<1024xi1>, vector<1024xf32>
    %reduce_max3A_19 = vector.shape_cast %select_n3A_18 : vector<1024xf32> to vector<1x1024xf32>
    %reduce_max3A_20 = arith.constant dense<0xFF800000> : vector<1xf32>
    %reduce_max3A_21 = vector.multi_reduction <maximumf>, %reduce_max3A_19, %reduce_max3A_20 [1] : vector<1x1024xf32> to vector<1xf32>
    %reduce_max3A_22 = vector.shape_cast %reduce_max3A_21 : vector<1xf32> to vector<1x1xf32>
    %reduce_max3A_23 = vector.extract %reduce_max3A_22[0, 0] : f32 from vector<1x1xf32>
    %sub3A_24 = vector.broadcast %reduce_max3A_23 : f32 to vector<1024xf32>
    %sub3A_25 = arith.subf %select_n3A_18, %sub3A_24 : vector<1024xf32>
    %exp3A_26 = math.exp %sub3A_25 : vector<1024xf32>
    %reduce_sum3A_27 = vector.shape_cast %exp3A_26 : vector<1024xf32> to vector<1x1024xf32>
    %reduce_sum3A_28 = arith.constant dense<0.000000e+00> : vector<1xf32>
    %reduce_sum3A_29 = vector.multi_reduction <add>, %reduce_sum3A_27, %reduce_sum3A_28 [1] : vector<1x1024xf32> to vector<1xf32>
    %reduce_sum3A_30 = vector.shape_cast %reduce_sum3A_29 : vector<1xf32> to vector<1x1xf32>
    %reduce_sum3A_31 = vector.extract %reduce_sum3A_30[0, 0] : f32 from vector<1x1xf32>
    %log3A_32 = math.log %reduce_sum3A_31 : f32
    %add3A_33 = arith.addf %log3A_32, %reduce_max3A_23 : f32
    %mul3A = arith.constant 512 : i32
    %mul3A_34 = arith.muli %arg0, %mul3A : i32
    %get3A_35 = arith.index_cast %mul3A_34 : i32 to index
    %get3A_36 = vector.load %arg2[%get3A_35] : memref<1024xf32, #tpu.memory_space<vmem>>, vector<512xf32>
    %reshape3A = vector.shape_cast %get3A_36 : vector<512xf32> to vector<1x512xf32>
    %transpose3A = tpu.transpose %reshape3A, [1, 0] : vector<1x512xf32> -> vector<512x1xf32>
    %sub3A_37 = arith.subf %add3A, %transpose3A : vector<512x1xf32>
    %add3A_38 = vector.broadcast %add3A_33 : f32 to vector<512x1xf32>
    %add3A_39 = arith.addf %sub3A_37, %add3A_38 : vector<512x1xf32>
    %slice3A = vector.extract_strided_slice %get3A_1 {offsets = [0, 0], sizes = [512, 128], strides = [1, 1]} : vector<512x1024xf32> to vector<512x128xf32>
    %sub3A_40 = vector.broadcast %add3A_39 : vector<512x1xf32> to vector<512x128xf32>
    %sub3A_41 = arith.subf %slice3A, %sub3A_40 : vector<512x128xf32>
    %swap3A = arith.constant 0 : index
    %swap3A_42 = arith.constant 0 : index
    %swap3A_43 = vector.load %arg3[%swap3A, %swap3A_42] : memref<4096x128xf32, #tpu.memory_space<vmem>>, vector<512x128xf32>
    tpu.vector_store %arg3[%swap3A, %swap3A_42], %sub3A_41 {strides = array<i32>} : memref<4096x128xf32, #tpu.memory_space<vmem>>, vector<512x128xf32>,
    %slice3A_44 = vector.extract_strided_slice %get3A_1 {offsets = [0, 128], sizes = [512, 128], strides = [1, 1]} : vector<512x1024xf32> to vector<512x128xf32>
    %sub3A_45 = vector.broadcast %add3A_39 : vector<512x1xf32> to vector<512x128xf32>
    %sub3A_46 = arith.subf %slice3A_44, %sub3A_45 : vector<512x128xf32>
    %swap3A_47 = arith.constant 512 : index
    %swap3A_48 = arith.constant 0 : index
    %swap3A_49 = vector.load %arg3[%swap3A_47, %swap3A_48] : memref<4096x128xf32, #tpu.memory_space<vmem>>, vector<512x128xf32>
    tpu.vector_store %arg3[%swap3A_47, %swap3A_48], %sub3A_46 {strides = array<i32>} : memref<4096x128xf32, #tpu.memory_space<vmem>>, vector<512x128xf32>,
    %slice3A_50 = vector.extract_strided_slice %get3A_1 {offsets = [0, 256], sizes = [512, 128], strides = [1, 1]} : vector<512x1024xf32> to vector<512x128xf32>
    %sub3A_51 = vector.broadcast %add3A_39 : vector<512x1xf32> to vector<512x128xf32>
    %sub3A_52 = arith.subf %slice3A_50, %sub3A_51 : vector<512x128xf32>
    %swap3A_53 = arith.constant 1024 : index
    %swap3A_54 = arith.constant 0 : index
    %swap3A_55 = vector.load %arg3[%swap3A_53, %swap3A_54] : memref<4096x128xf32, #tpu.memory_space<vmem>>, vector<512x128xf32>
    tpu.vector_store %arg3[%swap3A_53, %swap3A_54], %sub3A_52 {strides = array<i32>} : memref<4096x128xf32, #tpu.memory_space<vmem>>, vector<512x128xf32>,
    %slice3A_56 = vector.extract_strided_slice %get3A_1 {offsets = [0, 384], sizes = [512, 128], strides = [1, 1]} : vector<512x1024xf32> to vector<512x128xf32>
    %sub3A_57 = vector.broadcast %add3A_39 : vector<512x1xf32> to vector<512x128xf32>
    %sub3A_58 = arith.subf %slice3A_56, %sub3A_57 : vector<512x128xf32>
    %swap3A_59 = arith.constant 1536 : index
    %swap3A_60 = arith.constant 0 : index
    %swap3A_61 = vector.load %arg3[%swap3A_59, %swap3A_60] : memref<4096x128xf32, #tpu.memory_space<vmem>>, vector<512x128xf32>
    tpu.vector_store %arg3[%swap3A_59, %swap3A_60], %sub3A_58 {strides = array<i32>} : memref<4096x128xf32, #tpu.memory_space<vmem>>, vector<512x128xf32>,
    %slice3A_62 = vector.extract_strided_slice %get3A_1 {offsets = [0, 512], sizes = [512, 128], strides = [1, 1]} : vector<512x1024xf32> to vector<512x128xf32>
    %sub3A_63 = vector.broadcast %add3A_39 : vector<512x1xf32> to vector<512x128xf32>
    %sub3A_64 = arith.subf %slice3A_62, %sub3A_63 : vector<512x128xf32>
    %swap3A_65 = arith.constant 2048 : index
    %swap3A_66 = arith.constant 0 : index
    %swap3A_67 = vector.load %arg3[%swap3A_65, %swap3A_66] : memref<4096x128xf32, #tpu.memory_space<vmem>>, vector<512x128xf32>
    tpu.vector_store %arg3[%swap3A_65, %swap3A_66], %sub3A_64 {strides = array<i32>} : memref<4096x128xf32, #tpu.memory_space<vmem>>, vector<512x128xf32>,
    %slice3A_68 = vector.extract_strided_slice %get3A_1 {offsets = [0, 640], sizes = [512, 128], strides = [1, 1]} : vector<512x1024xf32> to vector<512x128xf32>
    %sub3A_69 = vector.broadcast %add3A_39 : vector<512x1xf32> to vector<512x128xf32>
    %sub3A_70 = arith.subf %slice3A_68, %sub3A_69 : vector<512x128xf32>
    %swap3A_71 = arith.constant 2560 : index
    %swap3A_72 = arith.constant 0 : index
    %swap3A_73 = vector.load %arg3[%swap3A_71, %swap3A_72] : memref<4096x128xf32, #tpu.memory_space<vmem>>, vector<512x128xf32>
    tpu.vector_store %arg3[%swap3A_71, %swap3A_72], %sub3A_70 {strides = array<i32>} : memref<4096x128xf32, #tpu.memory_space<vmem>>, vector<512x128xf32>,
    %slice3A_74 = vector.extract_strided_slice %get3A_1 {offsets = [0, 768], sizes = [512, 128], strides = [1, 1]} : vector<512x1024xf32> to vector<512x128xf32>
    %sub3A_75 = vector.broadcast %add3A_39 : vector<512x1xf32> to vector<512x128xf32>
    %sub3A_76 = arith.subf %slice3A_74, %sub3A_75 : vector<512x128xf32>
    %swap3A_77 = arith.constant 3072 : index
    %swap3A_78 = arith.constant 0 : index
    %swap3A_79 = vector.load %arg3[%swap3A_77, %swap3A_78] : memref<4096x128xf32, #tpu.memory_space<vmem>>, vector<512x128xf32>
    tpu.vector_store %arg3[%swap3A_77, %swap3A_78], %sub3A_76 {strides = array<i32>} : memref<4096x128xf32, #tpu.memory_space<vmem>>, vector<512x128xf32>,
    %slice3A_80 = vector.extract_strided_slice %get3A_1 {offsets = [0, 896], sizes = [512, 128], strides = [1, 1]} : vector<512x1024xf32> to vector<512x128xf32>
    %sub3A_81 = vector.broadcast %add3A_39 : vector<512x1xf32> to vector<512x128xf32>
    %sub3A_82 = arith.subf %slice3A_80, %sub3A_81 : vector<512x128xf32>
    %swap3A_83 = arith.constant 3584 : index
    %swap3A_84 = arith.constant 0 : index
    %swap3A_85 = vector.load %arg3[%swap3A_83, %swap3A_84] : memref<4096x128xf32, #tpu.memory_space<vmem>>, vector<512x128xf32>
    tpu.vector_store %arg3[%swap3A_83, %swap3A_84], %sub3A_82 {strides = array<i32>} : memref<4096x128xf32, #tpu.memory_space<vmem>>, vector<512x128xf32>,
    return
  }
  func.func @transform_0(%arg0: i32) -> (i32, i32) {
    %c0_i32 = arith.constant 0 : i32
    %c0_i32_0 = arith.constant 0 : i32
    return %arg0, %c0_i32 : i32, i32
  }
  func.func @transform_1(%arg0: i32) -> i32 {
    %c0_i32 = arith.constant 0 : i32
    %c0_i32_0 = arith.constant 0 : i32
    return %c0_i32 : i32
  }
  func.func @transform_2(%arg0: i32) -> (i32, i32) {
    %c0_i32 = arith.constant 0 : i32
    %c0_i32_0 = arith.constant 0 : i32
    return %arg0, %c0_i32 : i32, i32
  }
}

</mosaic_0001>

<sc_bundles>
// kernel: kernel.4.cloned.1.call-start
scs
__scs_entry_jumppad:
0x0: {  	(pc) =	sbr.rel $0x88, $3  }
0x1: {  	(tag) =	ssettag $0x0;
	lr =	simm.s32 $0x1  }
0x2: {  	[smem:$0x3F9E] =	sst lr;
	_ =	strace $0xD0000000  }
0x3: {  	_ = 	snop  }
0x4: {  	_ = 	snop  }
0x5: {  	_ = 	snop  }
0x6: {  	_ = 	snop  }
0x7: {  	_ = 	snop  }
__scs_overlays_trampoline_lowered:
0x8: {  	[smem:$0x3FAD] =	sst s0  }
0x9: {  	[smem:$0x3FAE] =	sst s1  }
0xa: {  	[smem:$0x3FAF] =	sst s2  }
0xb: {  	[smem:$0x3FB0] =	sst s3  }
0xc: {  	[smem:$0x3FB1] =	sst s4  }
0xd: {  	[smem:$0x3FB2] =	sst s5  }
0xe: {  	[smem:$0x3FB3] =	sst s6  }
0xf: {  	[smem:$0x3FB4] =	sst s7  }
0x10: {  	[smem:$0x3FB5] =	sst s8  }
0x11: {  	[smem:$0x3FB6] =	sst s9;
	s0 =	simm.s32 @!p0 $0x0  }
0x12: {  	s1 =	sld [smem:$0x3F9C];
	s0 =	simm.s32 @p0 $0x1  }
0x13: {  	[smem:$0x3FB7] =	sst s0;
	s0 =	simm.s32 @!p1 $0x0  }
0x14: {  	s2 =	sld [smem:$0x3F9B];
	s0 =	simm.s32 @p1 $0x1  }
0x15: {  	[smem:$0x3FB8] =	sst s0;
	s0 =	simm.s32 @!p2 $0x0  }
0x16: {  	s3 =	sld [smem:$0x3FDB];
	s0 =	simm.s32 @p2 $0x1  }
0x17: {  	s4 =	simm.s32 $0x1BF5;
	[smem:$0x3FBA] =	sst s0  }
0x18: {  	s0 =	sld [smem:$0x3F9D];
	_ =	swait.ge [sflag:s4], $0x0  }
0x19: {  	s7 =	sld [smem:$0x3F9E]  }
0x1a: {  	s8 =	sadd.s32 $0xFFFFE003, lr  }
0x1b: {  	s9 =	sadd.s32 $0xFFFFFEF7, lr;
	s5 =	simm.s32 $0xFFFFFFFF;
	p2 =	slt.u32 s8, $0xFFFFF086  }
0x1c: {  	p1 =	slt.u32 s9, $0xF7A;
	s5 =	simm.s32 @!p2 $0x0  }
0x1d: {  	s5 =	simm.s32 @p1 $0x1;
	p0 =	seq.s32 s7, s2  }
0x1e: {  	s7 =	smul.u32 @!p0 $0xF7A, s2;
	p2 =	seq.s32 @!p0 s5, $0x0  }
0x1f: {  	s9 =	smul.u32 $0xF7A, s1;
	s8 =	simm.s32 @!p0 $0x1BF5;
	p2 =	por !p2, p0  }
0x20: {  	[sflag:s8] =	ssyncset.s32 @!p0 $0xFFFFF086;
	s6 =	sadd.s32 @!p0 s3, s7;
	s7 =	simm.s32 @!p0 $0x108  }
0x21: {  	s3 =	sadd.s32 s3, s9;
	s6 =	sadd.s32 @!p0 $0x88, s6;
	s7 =	simm.s32 @p2 $0x1082  }
0x22: {  	[simem:s7], [sflag:s8] =	dma.local @!p0 [hbm:s6], $0xF7A  }
0x23: {  	s9 =	sor.u32 $0xD0000000, s2;
	s6 =	simm.s32 $0x108;
	_ =	swait.ge @!p0 [sflag:s8], $0x0  }
0x24: {  	s3 =	sadd.s32 $0x88, s3;
	s6 =	simm.s32 @!p1 $0x1082;
	[sflag:s4] =	ssyncset.s32 $0xFFFFF086  }
0x25: {  	[simem:s6], [sflag:s4] =	dma.local [hbm:s3], $0xF7A  }
0x26: {  	[smem:$0x3F9E] =	sst s1;
	(tag) =	ssettag s2;
	_ =	strace s9  }
0x27: {  	s1 =	sld [smem:$0x3FAE]  }
0x28: {  	s2 =	sld [smem:$0x3FAF]  }
0x29: {  	s4 =	sld [smem:$0x3FB1]  }
0x2a: {  	p0 =	seq.s32 s5, $0x0;
	s5 =	sld [smem:$0x3FB2]  }
0x2b: {  	s6 =	sld [smem:$0x3FB3]  }
0x2c: {  	s7 =	sld [smem:$0x3FB4]  }
0x2d: {  	s3 =	simm.s32 $0x108;
	s8 =	sld [smem:$0x3FB5]  }
0x2e: {  	s3 =	simm.s32 @!p0 $0x1082;
	s9 =	sld [smem:$0x3FB6]  }
0x2f: {  	lr =	sadd.s32 s0, s3;
	s0 =	sld [smem:$0x3FAD]  }
0x30: {  	s3 =	sld [smem:$0x3FB0]  }
0x31: {  	[smem:$0x3FB9] =	sst s10  }
0x32: {  	s10 =	sld [smem:$0x3FB7];
	_ =	sdelay $0x3  }
0x33: {  	p0 =	seq.s32 s10, $0x1;
	s10 =	sld [smem:$0x3FB9];
	_ =	sdelay $0x3  }
0x34: {  	[smem:$0x3FB9] =	sst s10  }
0x35: {  	s10 =	sld [smem:$0x3FB8];
	_ =	sdelay $0x3  }
0x36: {  	p1 =	seq.s32 s10, $0x1;
	s10 =	sld [smem:$0x3FB9];
	_ =	sdelay $0x3  }
0x37: {  	[smem:$0x3FB9] =	sst s10  }
0x38: {  	s10 =	sld [smem:$0x3FBA]  }
0x39: {  	_ = 	snop;
	(pc) =	sbr.ind lr, $3  }
0x3a: {  	_ = 	snop  }
0x3b: {  	_ = 	snop  }
0x3c: {  	p2 =	seq.s32 s10, $0x1;
	s10 =	sld [smem:$0x3FB9]  }
0x3d: {  	_ =	shalt  }
0x3e: {  	_ =	shalt  }
0x3f: {  	_ =	shalt  }
0x40: {  	_ =	shalt  }
0x41: {  	_ =	shalt  }
0x42: {  	_ =	shalt  }
0x43: {  	_ =	shalt  }
0x44: {  	_ =	shalt  }
0x45: {  	_ =	shalt  }
0x46: {  	_ =	shalt  }
0x47: {  	_ =	shalt  }
0x48: {  	_ =	shalt  }
0x49: {  	_ =	shalt  }
0x4a: {  	_ =	shalt  }
0x4b: {  	_ =	shalt  }
0x4c: {  	_ =	shalt  }
0x4d: {  	_ =	shalt  }
0x4e: {  	_ =	shalt  }
0x4f: {  	_ =	shalt  }
0x50: {  	_ =	shalt  }
0x51: {  	_ =	shalt  }
0x52: {  	_ =	shalt  }
0x53: {  	_ =	shalt  }
0x54: {  	_ =	shalt  }
0x55: {  	_ =	shalt  }
0x56: {  	_ =	shalt  }
0x57: {  	_ =	shalt  }
0x58: {  	_ =	shalt  }
0x59: {  	_ =	shalt  }
0x5a: {  	_ =	shalt  }
0x5b: {  	_ =	shalt  }
0x5c: {  	_ =	shalt  }
0x5d: {  	_ =	shalt  }
0x5e: {  	_ =	shalt  }
0x5f: {  	_ =	shalt  }
0x60: {  	_ =	shalt  }
0x61: {  	_ =	shalt  }
0x62: {  	_ =	shalt  }
0x63: {  	_ =	shalt  }
0x64: {  	_ =	shalt  }
0x65: {  	_ =	shalt  }
0x66: {  	_ =	shalt  }
0x67: {  	_ =	shalt  }
0x68: {  	_ =	shalt  }
0x69: {  	_ =	shalt  }
0x6a: {  	_ =	shalt  }
0x6b: {  	_ =	shalt  }
0x6c: {  	_ =	shalt  }
0x6d: {  	_ =	shalt  }
0x6e: {  	_ =	shalt  }
0x6f: {  	_ =	shalt  }
0x70: {  	_ =	shalt  }
0x71: {  	_ =	shalt  }
0x72: {  	_ =	shalt  }
0x73: {  	_ =	shalt  }
0x74: {  	_ =	shalt  }
0x75: {  	_ =	shalt  }
0x76: {  	_ =	shalt  }
0x77: {  	_ =	shalt  }
0x78: {  	_ =	shalt  }
0x79: {  	_ =	shalt  }
0x7a: {  	_ =	shalt  }
0x7b: {  	_ =	shalt  }
0x7c: {  	_ =	shalt  }
0x7d: {  	_ =	shalt  }
0x7e: {  	_ =	shalt  }
0x7f: {  	_ =	shalt  }
0x80: {  	_ =	shalt  }
0x81: {  	_ =	shalt  }
0x82: {  	_ =	shalt  }
0x83: {  	_ =	shalt  }
0x84: {  	_ =	shalt  }
0x85: {  	_ =	shalt  }
0x86: {  	_ =	shalt  }
0x87: {  	_ =	shalt  }
.Lfunc_end0:
.L_simem_size_0:
called_computation_lowered:
.L_overlay_start_0:
0x88: {  	s2 =	sld [smem:$0x3FD9]  }
0x89: {  	s3 =	sld [smem:$0x3FFE];
	_ =	sdelay $0x1  }
0x8a: {  	s1 =	srdreg.scid  }
0x8b: {  	s0 =	sand.u32 $0x1, s1  }
0x8c: {  	s17 =	sshll.u32 s0, $0xA;
	s2 =	sadd.s32 s3, s2  }
0x8d: {  	s2 =	sadd.s32 s2, s17  }
0x8e: {  	[smem:$0x3FC5] =	sst s2  }
0x8f: {  	_ = 	snop  }
0x90: {  	s2 =	sld [smem:$0x3FC9]  }
0x91: {  	s18 =	sld [smem:$0x3FD0];
	(tm) =	ssettm $0x1  }
0x92: {  	s4 =	sld [smem:$0x3FFB];
	_ =	sdelay $0x3  }
0x93: {  	_ =	strace s4  }
0x94: {  	s4 =	sld [smem:$0x3FFC];
	_ =	sdelay $0x3  }
0x95: {  	_ =	strace s4  }
0x96: {  	s4 =	sld [smem:$0x3FFD];
	_ =	sdelay $0x3  }
0x97: {  	_ =	strace s4  }
0x98: {  	_ =	strace $0x8FFFFFFF  }
0x99: {  	s19 =	sld [smem:$0x3FDB];
	_ =	sdelay $0x1  }
0x9a: {  	s5 =	simm.s32 $_scs_section_size  }
0x9b: {  	s6 =	simm.s32 $_size__tile_overlayer_lowered;
	s7 =	simm.s32 $_tile_overlayer_lowered  }
0x9c: {  	s22 =	simm.s32 $0x1BFF;
	s21 =	sshll.u32 s7, $0x1;
	s4 =	sadd.s32 s5, s19  }
0x9d: {  	s8 =	simm.s32 $0x0;
	s20 =	sshll.u32 s6, $0x1;
	s6 =	sadd.s32 s21, s4  }
0x9e: {  	[timem:s8], [sflag:s22] =	dma.local [hbm:s6], s20  }
0x9f: {  	_ =	swait.ge [sflag:s22], s20  }
0xa0: {  	s5 =	ssub.s32 $0x0, s20;
	[sflag:s22] =	ssyncset.done $0x0  }
0xa1: {  	[sflag:s22] =	ssyncadd.s32 s5;
	_ =	sdelay $0x1  }
0xa2: {  	s23 =	simm.s32 $0x1B8B  }
0xa3: {  	_ =	swait.ge [sflag:s23], $0x1  }
0xa4: {  	[sflag:s23] =	ssyncset.done $0x0  }
0xa5: {  	s25 =	simm.s32 $0x1B8E;
	s24 =	sld [smem:$0x3FFE];
	[sflag:s23] =	ssyncadd.s32 $0xFFFFFFFF  }
0xa6: {  	s26 =	simm.s32 $execute0_lowered;
	[smem:$0x3FD2] =	sst s25  }
0xa7: {  	s6 =	sshll.u32 s26, $0x1;
	_ =	strace $0x80000046;
	[dreg:$0x1] =	wrdreg $0xFFFFFFFF  }
0xa8: {  	s28 =	simm.s32 $_size_execute0_lowered;
	s4 =	sadd.s32 s4, s6;
	[dreg:$0x0] =	wrdreg $0x0  }
0xa9: {  	s6 =	sshll.u32 s28, $0x1;
	[dreg:$0x2] =	wrdreg s4  }
0xaa: {  	[dreg:$0x3] =	wrdreg s6  }
0xab: {  	[dreg:$0x4] =	wrdreg $0xC0  }
0xac: {  	_ =	task [dreg:s8], $0x5FFFF  }
0xad: {  	[dreg:$0x1] =	wrdreg $0xFFFFFFFF  }
0xae: {  	[dreg:$0x0] =	wrdreg $0x60  }
0xaf: {  	[dreg:$0x2] =	wrdreg s2  }
0xb0: {  	[dreg:$0x3] =	wrdreg s24  }
0xb1: {  	[dreg:$0x4] =	wrdreg s18  }
0xb2: {  	[dreg:$0x5] =	wrdreg $0x9  }
0xb3: {  	_ =	task.clear_ibuf [dreg:s8], $0x6FFFF;
	_ =	strace $0x90000046  }
0xb4: {  	s29 =	simm.s32 $0x9;
	_ =	strace $0x80000048  }
0xb5: {  	_ =	swait.ge [sflag:s29], $0x1  }
0xb6: {  	[sflag:s29] =	ssyncadd.s32 $0xFFFFFFFF  }
0xb7: {  	_ =	strace $0x90000048  }
0xb8: {  	_ =	sfence  }
0xb9: {  	s30 =	sld [smem:$0x0];
	_ =	sdelay $0x2  }
0xba: {  	s31 =	sshll.u32 s1, $0xD;
	s1 =	sshrl.u32 s1, $0x2  }
0xbb: {  	s3 =	sand.u32 $0x4000, s31;
	s1 =	sadd.s32 s1, s30  }
0xbc: {  	s0 =	sor.u32 s3, s0;
	s1 =	sshll.u32 s1, $0x11  }
0xbd: {  	s0 =	sor.u32 s1, s0  }
0xbe: {  	s0 =	sadd.s32 $0x8F2B, s0  }
0xbf: {  	[sflag:s0] =	ssyncadd.remote.s32 $0x1  }
0xc0: {  	_ =	sfence.sel $0xFFFF  }
0xc1: {  	[dreg:$0x0] =	wrdreg $0xFFFFFFFF;
	(pc) =	sbr.abs _section_cstart, $3  }
0xc2: {  	[dreg:$0x1] =	wrdreg $0xFFFFFFFF  }
0xc3: {  	_ =	task.clear_ibuf [dreg:s8], $0x2FFFF;
	_ =	strace $0x9FFFFFFF  }
0xc4: {  	(tm) =	ssettm $0x7FFFFFFF  }
0xc5: {  	_ =	shalt  }
tec
execute0_lowered:
.L_overlay_start_1:
0x0: {  	(tag) =	ssettag $0x1  }
0x1: {  	s4 =	rddreg [dreg:$0x0]  }
0x2: {  	s3 =	rddreg [dreg:$0x1]  }
0x3: {  	s5 =	rddreg [dreg:$0x2]  }
0x4: {  	s0 =	rddreg [dreg:$0x3];
	s2 =	simm.s32 $0x0  }
0x5: {  	s6 =	srdreg.scid;
	s1 =	stileid.u32;
	s10 =	simm.s32 $0x600  }
0x6: {  	s11 =	simm.s32 $0x480;
	s12 =	simm.s32 $0x680;
	s13 =	simm.s32 $0x500  }
0x7: {  	s14 =	simm.s32 $0x700;
	s15 =	simm.s32 $0x580;
	s16 =	simm.s32 $0x780  }
0x8: {  	s17 =	simm.s32 $0x2;
	[smem:$0x7FF] =	sst s2;
	s6 =	sand.u32 $0x1, s6  }
0x9: {  	s7 =	sshll.u32 s1, $0x1;
	s3 =	sadd.s32 $0xA00, s3;
	s8 =	ssub.s32 $0x2, s6  }
0xa: {  	_ =	strace $0x80000047;
	s6 =	sor.u32 s6, s7;
	s31 =	sshrl.u32 s8, $0x1  }
0xb: {  	s9 =	sshll.u32 s6, $0x7;
	s6 =	sshll.u32 s6, $0x6;
	s7 =	ssub.s32 s8, s31  }
0xc: {  	s4 =	sadd.s32 s4, s9;
	s5 =	sadd.s32 s5, s6;
	s8 =	simm.s32 $0x80  }
0xd: {  	s9 =	simm.s32 $0x400;
	s6 =	smax.u32 s7, $0x1;
	s7 =	simm.s32 $0x1  }
.LBB2_1:
0xe: {  	[tilespmem:s2], [sflag:$0x1] =	stream.linear.gather [hbm4b:s4+s2], $0x400, $0x38;
	[tilespmem:$0x800] =	vst v63  }
0xf: {  	_ =	swait.ge [sflag:s7], $0x400  }
0x10: {  	[sflag:s7] =	ssyncset.done $0x0  }
0x11: {  	[sflag:s7] =	ssyncadd.s32 $0xFFFFFC00  }
0x12: {  	v0 =	vld [tilespmem:$0x0]  }
0x13: {  	v1 =	vld [tilespmem:$0x80]  }
0x14: {  	v2 =	vld [tilespmem:$0x10]  }
0x15: {  	v3 =	vld [tilespmem:$0x90]  }
0x16: {  	v6 =	vld [tilespmem:$0x20]  }
0x17: {  	v7 =	vld [tilespmem:$0xA0]  }
0x18: {  	v8 =	vld [tilespmem:$0x30]  }
0x19: {  	v41 =	vld [tilespmem:$0xB0]  }
0x1a: {  	v10 =	vld [tilespmem:$0x40]  }
0x1b: {  	v43 =	vld [tilespmem:$0xC0]  }
0x1c: {  	v49 =	vld [tilespmem:$0x50]  }
0x1d: {  	v11 =	vld [tilespmem:$0xD0];
	v4 =	vshll.u32 v1, $0xA  }
0x1e: {  	v55 =	vld [tilespmem:$0x60];
	v5 =	vshll.u32 v0, $0x9;
	v1 =	vshll.u32 v1, $0x7;
	v39 =	vshll.u32 v3, $0xA  }
0x1f: {  	v57 =	vld [tilespmem:$0xE0];
	v40 =	vshll.u32 v2, $0x9;
	v3 =	vshll.u32 v3, $0x7;
	v0 =	vand.u32 $0x7F, v0  }
0x20: {  	v59 =	vld [tilespmem:$0xF0];
	v42 =	vshll.u32 v7, $0xA;
	v9 =	vshll.u32 v6, $0x9;
	v7 =	vshll.u32 v7, $0x7  }
0x21: {  	v13 =	vld [tilespmem:$0x70];
	v2 =	vand.u32 $0x7F, v2;
	v46 =	vand.u32 $0x7F, v6;
	v47 =	vshll.u32 v41, $0xA  }
0x22: {  	v48 =	vshll.u32 v8, $0x9;
	v52 =	vshll.u32 v43, $0xA;
	v53 =	vshll.u32 v10, $0x9  }
0x23: {  	v54 =	vshll.u32 v43, $0x7;
	v8 =	vand.u32 $0x7F, v8;
	v58 =	vshll.u32 v11, $0xA  }
0x24: {  	v12 =	vshll.u32 v49, $0x9;
	v11 =	vshll.u32 v11, $0x7;
	v10 =	vand.u32 $0x7F, v10  }
0x25: {  	v60 =	vshll.u32 v57, $0xA;
	v61 =	vshll.u32 v55, $0x9;
	v14 =	vshll.u32 v59, $0xA  }
0x26: {  	v15 =	vshll.u32 v13, $0x9;
	v17 =	vshll.u32 v59, $0x7;
	v21 =	vand.u32 $0x7F, v13  }
0x27: {  	v4 =	vand.u32 $0xFFF80000, v4;
	v5 =	vand.u32 $0xFFFF0000, v5;
	v1 =	vand.u32 $0xFF80, v1  }
0x28: {  	v3 =	vand.u32 $0xFF80, v3;
	v9 =	vand.u32 $0xFFFF0000, v9;
	v7 =	vand.u32 $0xFF80, v7  }
0x29: {  	v6 =	vand.u32 $0xFFFF0000, v48;
	v56 =	vand.u32 $0xFF80, v54;
	v12 =	vand.u32 $0xFFFF0000, v12  }
0x2a: {  	v11 =	vand.u32 $0xFF80, v11;
	v62 =	vand.u32 $0xFFF80000, v60;
	v63 =	vand.u32 $0xFFFF0000, v61  }
0x2b: {  	v16 =	vand.u32 $0xFFFF0000, v15;
	v19 =	vand.u32 $0xFF80, v17;
	v4 =	vadd.s32 v5, v4  }
0x2c: {  	v5 =	vand.u32 $0xFFFF0000, v40;
	v1 =	vor.u32 v1, v4;
	v4 =	vand.u32 $0xFFF80000, v39  }
0x2d: {  	v4 =	vadd.s32 v5, v4;
	v0 =	vor.u32 v0, v1;
	v5 =	vshll.u32 v41, $0x7  }
0x2e: {  	v3 =	vor.u32 v3, v4;
	v4 =	vand.u32 $0xFFF80000, v42;
	v51 =	vand.u32 $0xFF80, v5  }
0x2f: {  	v5 =	vand.u32 $0xFFFF0000, v53;
	[tilespmem:$0x400] =	vst v0;
	v0 =	vadd.s32 v63, v62;
	v4 =	vadd.s32 v9, v4  }
0x30: {  	v44 =	vor.u32 v2, v3;
	v45 =	vor.u32 v7, v4;
	v4 =	vand.u32 $0xFFF80000, v47  }
0x31: {  	v7 =	vand.u32 $0x7F, v49;
	v2 =	vor.u32 v46, v45;
	v50 =	vadd.s32 v6, v4  }
0x32: {  	v4 =	vand.u32 $0xFFF80000, v52;
	v6 =	vshll.u32 v57, $0x7;
	v3 =	vor.u32 v51, v50  }
0x33: {  	v4 =	vadd.s32 v5, v4;
	v5 =	vand.u32 $0xFFF80000, v58;
	[tilespmem:$0x420] =	vst v2;
	v2 =	vand.u32 $0xFFF80000, v14  }
0x34: {  	[tilespmem:$0x410] =	vst v44;
	v4 =	vor.u32 v56, v4;
	v5 =	vadd.s32 v12, v5;
	v3 =	vor.u32 v8, v3  }
0x35: {  	v2 =	vadd.s32 v16, v2;
	v4 =	vor.u32 v10, v4;
	v5 =	vor.u32 v11, v5;
	[tilespmem:$0x430] =	vst v3  }
0x36: {  	v11 =	vand.u32 $0xFF80, v6;
	v20 =	vor.u32 v19, v2;
	v10 =	vor.u32 v7, v5;
	[tilespmem:$0x440] =	vst v4  }
0x37: {  	v18 =	vand.u32 $0x7F, v55;
	v0 =	vor.u32 v11, v0;
	v22 =	vor.u32 v21, v20;
	[tilespmem:$0x450] =	vst v10  }
0x38: {  	v0 =	vor.u32 v18, v0;
	[tilespmem:$0x470] =	vst v22  }
0x39: {  	[tilespmem:$0x460] =	vst v0  }
0x3a: {  	[tilespmem:s10], [sflag:$0x1] =	stream.indirect.gather [hbm4b:s3+s8], $0x1, s9, s8, $0xb8;
	[tilespmem:$0x800] =	vst v63  }
0x3b: {  	v23 =	vld [tilespmem:$0x100]  }
0x3c: {  	v24 =	vld [tilespmem:$0x180]  }
0x3d: {  	v25 =	vld [tilespmem:$0x110]  }
0x3e: {  	v26 =	vld [tilespmem:$0x190]  }
0x3f: {  	v29 =	vld [tilespmem:$0x120]  }
0x40: {  	v30 =	vld [tilespmem:$0x1A0]  }
0x41: {  	v33 =	vld [tilespmem:$0x130]  }
0x42: {  	v34 =	vld [tilespmem:$0x1B0]  }
0x43: {  	v37 =	vld [tilespmem:$0x140]  }
0x44: {  	v38 =	vld [tilespmem:$0x1C0]  }
0x45: {  	v44 =	vld [tilespmem:$0x150]  }
0x46: {  	v45 =	vld [tilespmem:$0x1D0];
	v27 =	vshll.u32 v24, $0xA  }
0x47: {  	v51 =	vld [tilespmem:$0x160];
	v28 =	vshll.u32 v23, $0x9;
	v1 =	vshll.u32 v24, $0x7;
	v31 =	vshll.u32 v26, $0xA  }
0x48: {  	v53 =	vld [tilespmem:$0x1E0];
	v32 =	vshll.u32 v25, $0x9;
	v3 =	vshll.u32 v26, $0x7;
	v0 =	vand.u32 $0x7F, v23  }
0x49: {  	v57 =	vld [tilespmem:$0x1F0];
	v35 =	vshll.u32 v30, $0xA;
	v36 =	vshll.u32 v29, $0x9;
	v7 =	vshll.u32 v30, $0x7  }
0x4a: {  	v2 =	vand.u32 $0x7F, v25;
	v41 =	vand.u32 $0x7F, v29;
	v42 =	vshll.u32 v34, $0xA  }
0x4b: {  	v43 =	vshll.u32 v33, $0x9;
	v48 =	vshll.u32 v38, $0xA;
	v49 =	vshll.u32 v37, $0x9  }
0x4c: {  	v50 =	vshll.u32 v38, $0x7;
	v8 =	vand.u32 $0x7F, v33;
	v54 =	vshll.u32 v45, $0xA  }
0x4d: {  	v55 =	vshll.u32 v44, $0x9;
	v11 =	vshll.u32 v45, $0x7;
	v10 =	vand.u32 $0x7F, v37  }
0x4e: {  	v58 =	vshll.u32 v53, $0xA;
	v59 =	vshll.u32 v51, $0x9;
	v14 =	vshll.u32 v57, $0x7  }
0x4f: {  	v15 =	vand.u32 $0x7F, v51;
	v4 =	vand.u32 $0xFFF80000, v27;
	v5 =	vand.u32 $0xFFFF0000, v28  }
0x50: {  	v1 =	vand.u32 $0xFF80, v1;
	v3 =	vand.u32 $0xFF80, v3;
	v9 =	vand.u32 $0xFFFF0000, v36  }
0x51: {  	v7 =	vand.u32 $0xFF80, v7;
	v6 =	vand.u32 $0xFFFF0000, v43;
	v52 =	vand.u32 $0xFF80, v50  }
0x52: {  	v12 =	vand.u32 $0xFFFF0000, v55;
	v11 =	vand.u32 $0xFF80, v11;
	v60 =	vand.u32 $0xFFF80000, v58  }
0x53: {  	v61 =	vand.u32 $0xFFFF0000, v59;
	v16 =	vand.u32 $0xFF80, v14;
	v4 =	vadd.s32 v5, v4  }
0x54: {  	v5 =	vand.u32 $0xFFFF0000, v32;
	v1 =	vor.u32 v1, v4;
	v4 =	vand.u32 $0xFFF80000, v31  }
0x55: {  	v4 =	vadd.s32 v5, v4;
	v0 =	vor.u32 v0, v1;
	v5 =	vshll.u32 v34, $0x7  }
0x56: {  	v3 =	vor.u32 v3, v4;
	v4 =	vand.u32 $0xFFF80000, v35;
	v47 =	vand.u32 $0xFF80, v5  }
0x57: {  	v5 =	vand.u32 $0xFFFF0000, v49;
	[tilespmem:$0x480] =	vst v0;
	v0 =	vadd.s32 v61, v60;
	v4 =	vadd.s32 v9, v4  }
0x58: {  	v56 =	vld [tilespmem:$0x170];
	v39 =	vor.u32 v2, v3;
	v40 =	vor.u32 v7, v4;
	v4 =	vand.u32 $0xFFF80000, v42  }
0x59: {  	v2 =	vor.u32 v41, v40;
	v46 =	vadd.s32 v6, v4;
	v4 =	vand.u32 $0xFFF80000, v48  }
0x5a: {  	v6 =	vshll.u32 v53, $0x7;
	v3 =	vor.u32 v47, v46;
	v4 =	vadd.s32 v5, v4  }
0x5b: {  	v5 =	vand.u32 $0xFFF80000, v54;
	v63 =	vand.u32 $0xFF80, v6;
	v4 =	vor.u32 v52, v4  }
0x5c: {  	[tilespmem:$0x490] =	vst v39;
	v5 =	vadd.s32 v12, v5;
	v3 =	vor.u32 v8, v3;
	v0 =	vor.u32 v63, v0  }
0x5d: {  	[tilespmem:$0x4A0] =	vst v2;
	v8 =	vshll.u32 v57, $0xA;
	v4 =	vor.u32 v10, v4;
	v10 =	vshll.u32 v56, $0x9  }
0x5e: {  	v5 =	vor.u32 v11, v5;
	[tilespmem:$0x4B0] =	vst v3;
	v2 =	vand.u32 $0xFFF80000, v8;
	v11 =	vand.u32 $0xFFFF0000, v10  }
0x5f: {  	v7 =	vand.u32 $0x7F, v44;
	v0 =	vor.u32 v15, v0;
	[tilespmem:$0x4C0] =	vst v4;
	v2 =	vadd.s32 v11, v2  }
0x60: {  	v18 =	vand.u32 $0x7F, v56;
	v62 =	vor.u32 v7, v5;
	[tilespmem:$0x4E0] =	vst v0;
	v17 =	vor.u32 v16, v2  }
0x61: {  	[tilespmem:$0x4D0] =	vst v62;
	v19 =	vor.u32 v18, v17  }
0x62: {  	[tilespmem:$0x4F0] =	vst v19  }
0x63: {  	[tilespmem:s12], [sflag:$0x1] =	stream.indirect.gather [hbm4b:s3+s8], $0x1, s11, s8, $0xb8;
	[tilespmem:$0x800] =	vst v63  }
0x64: {  	v20 =	vld [tilespmem:$0x200]  }
0x65: {  	v21 =	vld [tilespmem:$0x280]  }
0x66: {  	v22 =	vld [tilespmem:$0x210]  }
0x67: {  	v23 =	vld [tilespmem:$0x290]  }
0x68: {  	v26 =	vld [tilespmem:$0x220]  }
0x69: {  	v27 =	vld [tilespmem:$0x2A0]  }
0x6a: {  	v30 =	vld [tilespmem:$0x230]  }
0x6b: {  	v31 =	vld [tilespmem:$0x2B0]  }
0x6c: {  	v34 =	vld [tilespmem:$0x240]  }
0x6d: {  	v35 =	vld [tilespmem:$0x2C0]  }
0x6e: {  	v41 =	vld [tilespmem:$0x250]  }
0x6f: {  	v42 =	vld [tilespmem:$0x2D0];
	v24 =	vshll.u32 v21, $0xA  }
0x70: {  	v48 =	vld [tilespmem:$0x260];
	v25 =	vshll.u32 v20, $0x9;
	v1 =	vshll.u32 v21, $0x7;
	v28 =	vshll.u32 v23, $0xA  }
0x71: {  	v50 =	vld [tilespmem:$0x2E0];
	v29 =	vshll.u32 v22, $0x9;
	v3 =	vshll.u32 v23, $0x7;
	v0 =	vand.u32 $0x7F, v20  }
0x72: {  	v54 =	vld [tilespmem:$0x2F0];
	v32 =	vshll.u32 v27, $0xA;
	v33 =	vshll.u32 v26, $0x9;
	v7 =	vshll.u32 v27, $0x7  }
0x73: {  	v53 =	vld [tilespmem:$0x270];
	v2 =	vand.u32 $0x7F, v22;
	v38 =	vand.u32 $0x7F, v26;
	v39 =	vshll.u32 v31, $0xA  }
0x74: {  	v40 =	vshll.u32 v30, $0x9;
	v45 =	vshll.u32 v35, $0xA;
	v46 =	vshll.u32 v34, $0x9  }
0x75: {  	v47 =	vshll.u32 v35, $0x7;
	v8 =	vand.u32 $0x7F, v30;
	v51 =	vshll.u32 v42, $0xA  }
0x76: {  	v52 =	vshll.u32 v41, $0x9;
	v11 =	vshll.u32 v42, $0x7;
	v10 =	vand.u32 $0x7F, v34  }
0x77: {  	v55 =	vshll.u32 v50, $0xA;
	v56 =	vshll.u32 v48, $0x9;
	v61 =	vshll.u32 v54, $0xA  }
0x78: {  	v62 =	vshll.u32 v53, $0x9;
	v4 =	vand.u32 $0xFFF80000, v24;
	v5 =	vand.u32 $0xFFFF0000, v25  }
0x79: {  	v1 =	vand.u32 $0xFF80, v1;
	v3 =	vand.u32 $0xFF80, v3;
	v9 =	vand.u32 $0xFFFF0000, v33  }
0x7a: {  	v7 =	vand.u32 $0xFF80, v7;
	v6 =	vand.u32 $0xFFFF0000, v40;
	v49 =	vand.u32 $0xFF80, v47  }
0x7b: {  	v12 =	vand.u32 $0xFFFF0000, v52;
	v11 =	vand.u32 $0xFF80, v11;
	v57 =	vand.u32 $0xFFF80000, v55  }
0x7c: {  	v58 =	vand.u32 $0xFFFF0000, v56;
	v63 =	vand.u32 $0xFFFF0000, v62;
	v4 =	vadd.s32 v5, v4  }
0x7d: {  	v5 =	vand.u32 $0xFFFF0000, v29;
	v1 =	vor.u32 v1, v4;
	v4 =	vand.u32 $0xFFF80000, v28  }
0x7e: {  	v4 =	vadd.s32 v5, v4;
	v0 =	vor.u32 v0, v1;
	v5 =	vshll.u32 v31, $0x7  }
0x7f: {  	v3 =	vor.u32 v3, v4;
	v4 =	vand.u32 $0xFFF80000, v32;
	v44 =	vand.u32 $0xFF80, v5  }
0x80: {  	v5 =	vand.u32 $0xFFFF0000, v46;
	[tilespmem:$0x500] =	vst v0;
	v0 =	vadd.s32 v58, v57;
	v4 =	vadd.s32 v9, v4  }
0x81: {  	v36 =	vor.u32 v2, v3;
	v9 =	vand.u32 $0x7F, v48;
	v37 =	vor.u32 v7, v4  }
0x82: {  	v4 =	vand.u32 $0xFFF80000, v39;
	v7 =	vand.u32 $0x7F, v41;
	v2 =	vor.u32 v38, v37  }
0x83: {  	v43 =	vadd.s32 v6, v4;
	v4 =	vand.u32 $0xFFF80000, v45;
	v6 =	vshll.u32 v50, $0x7  }
0x84: {  	v3 =	vor.u32 v44, v43;
	v4 =	vadd.s32 v5, v4;
	v5 =	vand.u32 $0xFFF80000, v51  }
0x85: {  	v60 =	vand.u32 $0xFF80, v6;
	[tilespmem:$0x520] =	vst v2;
	v2 =	vand.u32 $0xFFF80000, v61;
	v4 =	vor.u32 v49, v4  }
0x86: {  	[tilespmem:$0x510] =	vst v36;
	v5 =	vadd.s32 v12, v5;
	v3 =	vor.u32 v8, v3;
	v0 =	vor.u32 v60, v0  }
0x87: {  	v8 =	vshll.u32 v54, $0x7;
	v2 =	vadd.s32 v63, v2;
	v4 =	vor.u32 v10, v4;
	[tilespmem:$0x530] =	vst v3  }
0x88: {  	v5 =	vor.u32 v11, v5;
	v10 =	vand.u32 $0xFF80, v8;
	v0 =	vor.u32 v9, v0;
	[tilespmem:$0x540] =	vst v4  }
0x89: {  	v12 =	vand.u32 $0x7F, v53;
	v59 =	vor.u32 v7, v5;
	v11 =	vor.u32 v10, v2;
	[tilespmem:$0x560] =	vst v0  }
0x8a: {  	[tilespmem:$0x550] =	vst v59;
	v13 =	vor.u32 v12, v11  }
0x8b: {  	[tilespmem:$0x570] =	vst v13  }
0x8c: {  	[tilespmem:s14], [sflag:$0x1] =	stream.indirect.gather [hbm4b:s3+s8], $0x1, s13, s8, $0xb8;
	[tilespmem:$0x800] =	vst v63  }
0x8d: {  	v14 =	vld [tilespmem:$0x300]  }
0x8e: {  	v15 =	vld [tilespmem:$0x380]  }
0x8f: {  	v16 =	vld [tilespmem:$0x310]  }
0x90: {  	v17 =	vld [tilespmem:$0x390]  }
0x91: {  	v20 =	vld [tilespmem:$0x320]  }
0x92: {  	v21 =	vld [tilespmem:$0x3A0]  }
0x93: {  	v24 =	vld [tilespmem:$0x330]  }
0x94: {  	v25 =	vld [tilespmem:$0x3B0]  }
0x95: {  	v28 =	vld [tilespmem:$0x340]  }
0x96: {  	v29 =	vld [tilespmem:$0x3C0]  }
0x97: {  	v35 =	vld [tilespmem:$0x350]  }
0x98: {  	v36 =	vld [tilespmem:$0x3D0];
	v18 =	vshll.u32 v15, $0xA  }
0x99: {  	v42 =	vld [tilespmem:$0x360];
	v19 =	vshll.u32 v14, $0x9;
	v1 =	vshll.u32 v15, $0x7;
	v22 =	vshll.u32 v17, $0xA  }
0x9a: {  	v44 =	vld [tilespmem:$0x3E0];
	v23 =	vshll.u32 v16, $0x9;
	v3 =	vshll.u32 v17, $0x7;
	v0 =	vand.u32 $0x7F, v14  }
0x9b: {  	v48 =	vld [tilespmem:$0x3F0];
	v26 =	vshll.u32 v21, $0xA;
	v27 =	vshll.u32 v20, $0x9;
	v7 =	vshll.u32 v21, $0x7  }
0x9c: {  	v47 =	vld [tilespmem:$0x370];
	v2 =	vand.u32 $0x7F, v16;
	v32 =	vand.u32 $0x7F, v20;
	v33 =	vshll.u32 v25, $0xA  }
0x9d: {  	v34 =	vshll.u32 v24, $0x9;
	v39 =	vshll.u32 v29, $0xA;
	v40 =	vshll.u32 v28, $0x9  }
0x9e: {  	v41 =	vshll.u32 v29, $0x7;
	v8 =	vand.u32 $0x7F, v24;
	v45 =	vshll.u32 v36, $0xA  }
0x9f: {  	v46 =	vshll.u32 v35, $0x9;
	v11 =	vshll.u32 v36, $0x7;
	v10 =	vand.u32 $0x7F, v28  }
0xa0: {  	v49 =	vshll.u32 v44, $0xA;
	v50 =	vshll.u32 v42, $0x9;
	v55 =	vshll.u32 v48, $0xA  }
0xa1: {  	v56 =	vshll.u32 v47, $0x9;
	v58 =	vshll.u32 v48, $0x7;
	v59 =	vand.u32 $0x7F, v42  }
0xa2: {  	v4 =	vand.u32 $0xFFF80000, v18;
	v5 =	vand.u32 $0xFFFF0000, v19;
	v1 =	vand.u32 $0xFF80, v1  }
0xa3: {  	v3 =	vand.u32 $0xFF80, v3;
	v9 =	vand.u32 $0xFFFF0000, v27;
	v7 =	vand.u32 $0xFF80, v7  }
0xa4: {  	v6 =	vand.u32 $0xFFFF0000, v34;
	v43 =	vand.u32 $0xFF80, v41;
	v12 =	vand.u32 $0xFFFF0000, v46  }
0xa5: {  	v11 =	vand.u32 $0xFF80, v11;
	v51 =	vand.u32 $0xFFF80000, v49;
	v52 =	vand.u32 $0xFFFF0000, v50  }
0xa6: {  	v57 =	vand.u32 $0xFFFF0000, v56;
	v60 =	vand.u32 $0xFF80, v58;
	v4 =	vadd.s32 v5, v4  }
0xa7: {  	v5 =	vand.u32 $0xFFFF0000, v23;
	v1 =	vor.u32 v1, v4;
	v4 =	vand.u32 $0xFFF80000, v22  }
0xa8: {  	v4 =	vadd.s32 v5, v4;
	v0 =	vor.u32 v0, v1;
	v5 =	vshll.u32 v25, $0x7  }
0xa9: {  	v3 =	vor.u32 v3, v4;
	v4 =	vand.u32 $0xFFF80000, v26;
	v38 =	vand.u32 $0xFF80, v5  }
0xaa: {  	v5 =	vand.u32 $0xFFFF0000, v40;
	[tilespmem:$0x580] =	vst v0;
	v0 =	vadd.s32 v52, v51;
	v4 =	vadd.s32 v9, v4  }
0xab: {  	v30 =	vor.u32 v2, v3;
	v31 =	vor.u32 v7, v4;
	v4 =	vand.u32 $0xFFF80000, v33  }
0xac: {  	v7 =	vand.u32 $0x7F, v35;
	v2 =	vor.u32 v32, v31;
	v37 =	vadd.s32 v6, v4  }
0xad: {  	v4 =	vand.u32 $0xFFF80000, v39;
	v6 =	vshll.u32 v44, $0x7;
	v3 =	vor.u32 v38, v37  }
0xae: {  	[tilespmem:$0x590] =	vst v30;
	v4 =	vadd.s32 v5, v4;
	v5 =	vand.u32 $0xFFF80000, v45;
	v54 =	vand.u32 $0xFF80, v6  }
0xaf: {  	[tilespmem:$0x5A0] =	vst v2;
	v2 =	vand.u32 $0xFFF80000, v55;
	v4 =	vor.u32 v43, v4;
	v3 =	vor.u32 v8, v3  }
0xb0: {  	v5 =	vadd.s32 v12, v5;
	v0 =	vor.u32 v54, v0;
	v4 =	vor.u32 v10, v4;
	[tilespmem:$0x5B0] =	vst v3  }
0xb1: {  	v2 =	vadd.s32 v57, v2;
	v5 =	vor.u32 v11, v5;
	v0 =	vor.u32 v59, v0;
	[tilespmem:$0x5C0] =	vst v4  }
0xb2: {  	v62 =	vand.u32 $0x7F, v47;
	v61 =	vor.u32 v60, v2;
	v53 =	vor.u32 v7, v5;
	[tilespmem:$0x5E0] =	vst v0  }
0xb3: {  	v63 =	vor.u32 v62, v61;
	[tilespmem:$0x5D0] =	vst v53  }
0xb4: {  	[tilespmem:$0x5F0] =	vst v63  }
0xb5: {  	[tilespmem:s16], [sflag:$0x1] =	stream.indirect.gather [hbm4b:s3+s8], $0x1, s15, s8, $0xb8;
	[tilespmem:$0x800] =	vst v63  }
0xb6: {  	_ =	swait.ge [sflag:s7], $0x80  }
0xb7: {  	[sflag:s7] =	ssyncset.done $0x0  }
0xb8: {  	[sflag:s7] =	ssyncadd.s32 $0xFFFFFF80  }
0xb9: {  	_ =	swait.ge [sflag:s7], $0x80  }
0xba: {  	[sflag:s7] =	ssyncset.done $0x0  }
0xbb: {  	[sflag:s7] =	ssyncadd.s32 $0xFFFFFF80  }
0xbc: {  	_ =	swait.ge [sflag:s7], $0x80  }
0xbd: {  	[sflag:s7] =	ssyncset.done $0x0  }
0xbe: {  	[sflag:s7] =	ssyncadd.s32 $0xFFFFFF80  }
0xbf: {  	_ =	swait.ge [sflag:s7], $0x80  }
0xc0: {  	p0 =	sne.s32 s6, $0x1;
	[sflag:s7] =	ssyncset.done $0x0  }
.Ltmp0:
0xc1: {  	[sflag:s7] =	ssyncadd.s32 $0xFFFFFF80;
	(pc) =	sbr.rel @p0 .LBB2_1-.Ltmp0, $4  }
0xc2: {  	[hbm4b:s5+s2] =	stream.linear.scatter [tilespmem:s10], [sflag:$0x2], $0x200, $0x38;
	[tilespmem:$0x800] =	vst v63  }
0xc3: {  	_ =	swait.ge [sflag:s17], $0x200  }
0xc4: {  	[sflag:s17] =	ssyncset.done $0x0  }
0xc5: {  	s6 =	sadd.s32 $0xFFFFFFFF, s6;
	[sflag:s17] =	ssyncadd.s32 $0xFFFFFE00  }
0xc6: {  	_ =	sfence.sel $0x180000  }
0xc7: {  	[bflag:$0x0] =	sbarrier.arrive $0xFFFF  }
0xc8: {  	p0 =	sne.s32 s1, $0x0;
	_ =	strace $0x90000047  }
0xc9: {  	s0 =	sadd.s32 @!p0 $0x100000, s0;
	[bflag:$0x2] =	sbarrier.arrive $0xFFFF  }
0xca: {  	[sflag:s0] =	ssyncadd.tile.s32 @!p0 $0x1;
	_ =	shalt  }
.Lfunc_end2:
_tile_overlayer_lowered:
.L_overlay_start_2:
0xcb: {  	(tag) =	ssettag $0x2  }
0xcc: {  	s0 =	rddreg [dreg:$0x0];
	s2 =	stileid.u32  }
0xcd: {  	s1 =	rddreg [dreg:$0x1];
	p0 =	sne.s32 s2, $0x0  }
0xce: {  	s3 =	rddreg [dreg:$0x2];
	[bflag:$0x3] =	sbarrier.arrive $0xFFFF;
	s2 =	simm.s32 @!p0 $0x1C02  }
0xcf: {  	[timem:s3], [sflag:s2] =	dma.local @!p0 [hbm:s0], s1  }
0xd0: {  	s0 =	simm.s32 @!p0 $0x2  }
0xd1: {  	_ =	swait.ge @!p0 [sflag:s0], s1  }
0xd2: {  	s1 =	ssub.s32 @!p0 $0x0, s1;
	[sflag:s0] =	ssyncset.done @!p0 $0x0  }
0xd3: {  	[sflag:s0] =	ssyncadd.s32 @!p0 s1  }
0xd4: {  	[bflag:$0x3] =	sbarrier.arrive $0xFFFF  }
0xd5: {  	_ =	shalt  }

</sc_bundles>
